<compile_context>
chip_gen: v7x
topology: tpu7x:2x2x1
jax: 0.10.2.dev20260603
libtpu: 0.0.44.dev20260713+nightly
codegen_flags: <defaults>
</compile_context>

<pallas_src>
import functools

import jax
import jax.numpy as jnp
from jax import lax
from jax.experimental import pallas as pl
from jax.experimental.pallas import tpu as pltpu
from jax.experimental.pallas import tpu_sc as plsc

EMB_DIM = 32
NEG_K = 20
NUM_CORES = 2
NUM_SUBCORES = 16
NUM_WORKERS = NUM_CORES * NUM_SUBCORES
CHUNK = 128
GROUP = 16
GATHER = 128


def _sc_dots(cen_idx, ctx_idx, neg_idx, syn0, syn1):
    B = cen_idx.shape[0]
    per_w = B // NUM_WORKERS
    n_chunks = per_w // CHUNK
    out_per_chunk = CHUNK * (1 + NEG_K)
    mesh = plsc.VectorSubcoreMesh(core_axis_name="c", subcore_axis_name="s")

    @functools.partial(
        pl.kernel,
        out_type=jax.ShapeDtypeStruct((B * (1 + NEG_K),), jnp.float32),
        mesh=mesh,
        scratch_types=[
            pltpu.VMEM((CHUNK,), jnp.int32),
            pltpu.VMEM((CHUNK,), jnp.int32),
            pltpu.VMEM((CHUNK * NEG_K,), jnp.int32),
            pltpu.VMEM((CHUNK, EMB_DIM), jnp.float32),
            pltpu.VMEM((CHUNK, EMB_DIM), jnp.float32),
            pltpu.VMEM((CHUNK * NEG_K, EMB_DIM), jnp.float32),
            pltpu.VMEM((CHUNK * (1 + NEG_K),), jnp.float32),
            pltpu.SemaphoreType.DMA,
        ],
        compiler_params=pltpu.CompilerParams(
            needs_layout_passes=False, use_tc_tiling_on_sc=False),
    )
    def sc_kernel(cen_hbm, ctx_hbm, neg_hbm, syn0_hbm, syn1_hbm, out_hbm,
                  cen_i, ctx_i, neg_i, cen_r, ctx_r, neg_r, ob, sem):
        wid = lax.axis_index("s") * NUM_CORES + lax.axis_index("c")
        iota = lax.iota(jnp.int32, GROUP)
        cols = [jnp.full((GROUP,), d, jnp.int32) for d in range(EMB_DIM)]

        def chunk_body(c, carry):
            base = wid * per_w + c * CHUNK
            pltpu.sync_copy(cen_hbm.at[pl.ds(base, CHUNK)], cen_i)
            pltpu.sync_copy(ctx_hbm.at[pl.ds(base, CHUNK)], ctx_i)
            pltpu.sync_copy(neg_hbm.at[pl.ds(base * NEG_K, CHUNK * NEG_K)], neg_i)
            copies = [
                pltpu.async_copy(syn0_hbm.at[cen_i], cen_r, sem),
                pltpu.async_copy(syn1_hbm.at[ctx_i], ctx_r, sem),
            ]
            for j in range(CHUNK * NEG_K // GATHER):
                copies.append(pltpu.async_copy(
                    syn1_hbm.at[neg_i.at[pl.ds(j * GATHER, GATHER)]],
                    neg_r.at[pl.ds(j * GATHER, GATHER)], sem))
            for cp in copies:
                cp.wait()

            def group_body(g, gcarry):
                e = g * GROUP + iota
                cen_d = [plsc.load_gather(cen_r, [e, cols[d]])
                         for d in range(EMB_DIM)]

                def dot_against(rows_ref, row_idx):
                    p = [cen_d[d] * plsc.load_gather(rows_ref, [row_idx, cols[d]])
                         for d in range(EMB_DIM)]
                    while len(p) > 1:
                        p = [p[i] + p[i + 1] for i in range(0, len(p), 2)]
                    return p[0]

                ob[pl.ds(g * GROUP, GROUP)] = dot_against(ctx_r, e)
                e_neg = e * NEG_K
                unroll = 4

                def neg_body(kq, kcarry):
                    kk0 = kq * unroll
                    for u in range(unroll):
                        acc = dot_against(neg_r, e_neg + (kk0 + u))
                        ob[pl.ds(CHUNK + (kk0 + u) * CHUNK + g * GROUP,
                                 GROUP)] = -acc
                    return kcarry

                lax.fori_loop(0, NEG_K // unroll, neg_body, 0)
                return gcarry

            lax.fori_loop(0, CHUNK // GROUP, group_body, 0)
            pltpu.sync_copy(
                ob,
                out_hbm.at[pl.ds((wid * n_chunks + c) * out_per_chunk,
                                 out_per_chunk)])
            return carry

        lax.fori_loop(0, n_chunks, chunk_body, 0)

    return sc_kernel(cen_idx, ctx_idx, neg_idx, syn0, syn1)


def _tc_loss(dots):
    n = dots.shape[0]
    x2 = dots.reshape(n // 128, 128)

    def body(x_ref, o_ref):
        x = x_ref[...]
        ls = jnp.minimum(x, 0.0) - jnp.log1p(jnp.exp(-jnp.abs(x)))
        o_ref[0, 0] = -jnp.sum(jnp.sum(ls, axis=1))

    out = pl.pallas_call(
        body,
        out_shape=jax.ShapeDtypeStruct((1, 1), jnp.float32),
        out_specs=pl.BlockSpec(memory_space=pltpu.SMEM),
    )(x2)
    return out[0, 0]


def kernel(center_word, context_word, neg_sampling_words, syn0, syn1):
    cen = center_word.astype(jnp.int32)
    ctx = context_word.astype(jnp.int32)
    neg = neg_sampling_words.astype(jnp.int32).reshape(-1)
    dots = _sc_dots(cen, ctx, neg, syn0, syn1)
    return _tc_loss(dots)

# --- scband reference (transcript-rebuilt; emitter-appended) ---
"""Pipeline reference for scband-skip-gram-model-12962211299575 (READ-ONLY COPY).

The authoritative reference and input builder live on the scoring server;
editing this copy changes nothing except your own understanding.
"""

import jax, jax.numpy as jnp
import numpy as np

EMB_SIZE = 1000000
EMB_DIM = 32
BATCH = 16384
NEG = 20

def setup_inputs(seed: int = 0) -> dict:
    key = jax.random.key(seed)
    k1, k2, k3, k4 = jax.random.split(key, 4)
    center_word = jax.random.randint(k1, (BATCH,), 0, EMB_SIZE, dtype=jnp.int64 if jax.config.read('jax_enable_x64') else jnp.int32)
    context_word = jax.random.randint(k2, (BATCH,), 0, EMB_SIZE, dtype=center_word.dtype)
    neg_sampling_words = jax.random.randint(k3, (BATCH, NEG), 0, EMB_SIZE, dtype=center_word.dtype)
    init_range = 0.5 / EMB_DIM
    syn0 = jax.random.uniform(k4, (EMB_SIZE, EMB_DIM), minval=-init_range, maxval=init_range, dtype=jnp.float32)
    syn1 = jnp.zeros((EMB_SIZE, EMB_DIM), dtype=jnp.float32)
    return {"center_word": center_word, "context_word": context_word, "neg_sampling_words": neg_sampling_words, "syn0": syn0, "syn1": syn1}

def reference(center_word, context_word, neg_sampling_words, syn0, syn1):
    # emb_center_w = syn0(center_word): gather rows -> [B, D]
    emb_center_w = jnp.take(syn0, center_word, axis=0)
    # emb_context_w = syn1(context_word): [B, D]
    emb_context_w = jnp.take(syn1, context_word, axis=0)
    # y = sum(mul(...), dim=1) -> [B]
    y = jnp.sum(emb_center_w * emb_context_w, axis=1)
    y = jax.nn.log_sigmoid(y)
    # emb_neg_sampling_ws = syn1(neg): [B, K, D]
    emb_neg = jnp.take(syn1, neg_sampling_words, axis=0)
    # bmm([B,K,D], [B,D,1]).squeeze() -> [B,K]
    neg_y = jnp.einsum('bkd,bd->bk', emb_neg, emb_center_w)
    neg_y = jax.nn.log_sigmoid(-1.0 * neg_y)
    return -1.0 * (jnp.sum(y) + jnp.sum(neg_y))

if __name__ == "__main__":
    import jax
    _d = setup_inputs()
    print(jax.jit(kernel)(*tuple(_d.values())))

</pallas_src>

<mosaic_0001>
#map = affine_map<(d0, d1) -> (0)>
#map1 = affine_map<(d0, d1) -> (0, 0)>
module attributes {stable_mosaic.version = 14 : i64} {
  func.func @sc_kernel(%arg0: i32, %arg1: i32, %arg2: memref<16384xi32, #tpu.memory_space<hbm>>, %arg3: memref<16384xi32, #tpu.memory_space<hbm>>, %arg4: memref<327680xi32, #tpu.memory_space<hbm>>, %arg5: memref<1000000x32xf32, #tpu.memory_space<hbm>>, %arg6: memref<1000000x32xf32, #tpu.memory_space<hbm>>, %arg7: memref<344064xf32, #tpu.memory_space<hbm>>, %arg8: memref<128xi32, #tpu.memory_space<vmem>>, %arg9: memref<128xi32, #tpu.memory_space<vmem>>, %arg10: memref<2560xi32, #tpu.memory_space<vmem>>, %arg11: memref<128x32xf32, #tpu.memory_space<vmem>>, %arg12: memref<128x32xf32, #tpu.memory_space<vmem>>, %arg13: memref<2560x32xf32, #tpu.memory_space<vmem>>, %arg14: memref<2688xf32, #tpu.memory_space<vmem>>, %arg15: memref<!tpu.dma_semaphore, #tpu.memory_space<semaphore_mem>>) attributes {dimension_semantics = [#tpu.dimension_semantics<core_parallel>, #tpu.dimension_semantics<subcore_parallel>], iteration_bounds = array<i64: 2, 16>, scalar_prefetch = 0 : i64, scratch_operands = 8 : i64, tpu.core_type = #tpu.core_type<sc_vector_subcore>, window_params = [{transform_indices = #map}, {transform_indices = #map}, {transform_indices = #map}, {transform_indices = #map1}, {transform_indices = #map1}, {transform_indices = #map}]} {
    %mul3A = arith.constant 2 : i32
    %mul3A_0 = arith.muli %arg1, %mul3A : i32
    %add3A = arith.addi %mul3A_0, %arg0 : i32
    %iota3A = tpu.iota {dimensions = array<i32: 0>} : vector<16xi32>
    %broadcast_in_dim3A = arith.constant 0 : i32
    %broadcast_in_dim3A_1 = vector.broadcast %broadcast_in_dim3A : i32 to vector<16xi32>
    %broadcast_in_dim3A_2 = arith.constant 1 : i32
    %broadcast_in_dim3A_3 = vector.broadcast %broadcast_in_dim3A_2 : i32 to vector<16xi32>
    %broadcast_in_dim3A_4 = arith.constant 2 : i32
    %broadcast_in_dim3A_5 = vector.broadcast %broadcast_in_dim3A_4 : i32 to vector<16xi32>
    %broadcast_in_dim3A_6 = arith.constant 3 : i32
    %broadcast_in_dim3A_7 = vector.broadcast %broadcast_in_dim3A_6 : i32 to vector<16xi32>
    %broadcast_in_dim3A_8 = arith.constant 4 : i32
    %broadcast_in_dim3A_9 = vector.broadcast %broadcast_in_dim3A_8 : i32 to vector<16xi32>
    %broadcast_in_dim3A_10 = arith.constant 5 : i32
    %broadcast_in_dim3A_11 = vector.broadcast %broadcast_in_dim3A_10 : i32 to vector<16xi32>
    %broadcast_in_dim3A_12 = arith.constant 6 : i32
    %broadcast_in_dim3A_13 = vector.broadcast %broadcast_in_dim3A_12 : i32 to vector<16xi32>
    %broadcast_in_dim3A_14 = arith.constant 7 : i32
    %broadcast_in_dim3A_15 = vector.broadcast %broadcast_in_dim3A_14 : i32 to vector<16xi32>
    %broadcast_in_dim3A_16 = arith.constant 8 : i32
    %broadcast_in_dim3A_17 = vector.broadcast %broadcast_in_dim3A_16 : i32 to vector<16xi32>
    %broadcast_in_dim3A_18 = arith.constant 9 : i32
    %broadcast_in_dim3A_19 = vector.broadcast %broadcast_in_dim3A_18 : i32 to vector<16xi32>
    %broadcast_in_dim3A_20 = arith.constant 10 : i32
    %broadcast_in_dim3A_21 = vector.broadcast %broadcast_in_dim3A_20 : i32 to vector<16xi32>
    %broadcast_in_dim3A_22 = arith.constant 11 : i32
    %broadcast_in_dim3A_23 = vector.broadcast %broadcast_in_dim3A_22 : i32 to vector<16xi32>
    %broadcast_in_dim3A_24 = arith.constant 12 : i32
    %broadcast_in_dim3A_25 = vector.broadcast %broadcast_in_dim3A_24 : i32 to vector<16xi32>
    %broadcast_in_dim3A_26 = arith.constant 13 : i32
    %broadcast_in_dim3A_27 = vector.broadcast %broadcast_in_dim3A_26 : i32 to vector<16xi32>
    %broadcast_in_dim3A_28 = arith.constant 14 : i32
    %broadcast_in_dim3A_29 = vector.broadcast %broadcast_in_dim3A_28 : i32 to vector<16xi32>
    %broadcast_in_dim3A_30 = arith.constant 15 : i32
    %broadcast_in_dim3A_31 = vector.broadcast %broadcast_in_dim3A_30 : i32 to vector<16xi32>
    %broadcast_in_dim3A_32 = arith.constant 16 : i32
    %broadcast_in_dim3A_33 = vector.broadcast %broadcast_in_dim3A_32 : i32 to vector<16xi32>
    %broadcast_in_dim3A_34 = arith.constant 17 : i32
    %broadcast_in_dim3A_35 = vector.broadcast %broadcast_in_dim3A_34 : i32 to vector<16xi32>
    %broadcast_in_dim3A_36 = arith.constant 18 : i32
    %broadcast_in_dim3A_37 = vector.broadcast %broadcast_in_dim3A_36 : i32 to vector<16xi32>
    %broadcast_in_dim3A_38 = arith.constant 19 : i32
    %broadcast_in_dim3A_39 = vector.broadcast %broadcast_in_dim3A_38 : i32 to vector<16xi32>
    %broadcast_in_dim3A_40 = arith.constant 20 : i32
    %broadcast_in_dim3A_41 = vector.broadcast %broadcast_in_dim3A_40 : i32 to vector<16xi32>
    %broadcast_in_dim3A_42 = arith.constant 21 : i32
    %broadcast_in_dim3A_43 = vector.broadcast %broadcast_in_dim3A_42 : i32 to vector<16xi32>
    %broadcast_in_dim3A_44 = arith.constant 22 : i32
    %broadcast_in_dim3A_45 = vector.broadcast %broadcast_in_dim3A_44 : i32 to vector<16xi32>
    %broadcast_in_dim3A_46 = arith.constant 23 : i32
    %broadcast_in_dim3A_47 = vector.broadcast %broadcast_in_dim3A_46 : i32 to vector<16xi32>
    %broadcast_in_dim3A_48 = arith.constant 24 : i32
    %broadcast_in_dim3A_49 = vector.broadcast %broadcast_in_dim3A_48 : i32 to vector<16xi32>
    %broadcast_in_dim3A_50 = arith.constant 25 : i32
    %broadcast_in_dim3A_51 = vector.broadcast %broadcast_in_dim3A_50 : i32 to vector<16xi32>
    %broadcast_in_dim3A_52 = arith.constant 26 : i32
    %broadcast_in_dim3A_53 = vector.broadcast %broadcast_in_dim3A_52 : i32 to vector<16xi32>
    %broadcast_in_dim3A_54 = arith.constant 27 : i32
    %broadcast_in_dim3A_55 = vector.broadcast %broadcast_in_dim3A_54 : i32 to vector<16xi32>
    %broadcast_in_dim3A_56 = arith.constant 28 : i32
    %broadcast_in_dim3A_57 = vector.broadcast %broadcast_in_dim3A_56 : i32 to vector<16xi32>
    %broadcast_in_dim3A_58 = arith.constant 29 : i32
    %broadcast_in_dim3A_59 = vector.broadcast %broadcast_in_dim3A_58 : i32 to vector<16xi32>
    %broadcast_in_dim3A_60 = arith.constant 30 : i32
    %broadcast_in_dim3A_61 = vector.broadcast %broadcast_in_dim3A_60 : i32 to vector<16xi32>
    %broadcast_in_dim3A_62 = arith.constant 31 : i32
    %broadcast_in_dim3A_63 = vector.broadcast %broadcast_in_dim3A_62 : i32 to vector<16xi32>
    %scan3A = arith.constant 0 : i32
    %scan3A_64 = arith.constant 0 : i32
    %scan3A_65 = arith.constant 4 : i32
    %scan3A_66 = arith.addi %scan3A_64, %scan3A_65 : i32
    %scan3A_67 = arith.constant 1 : i32
    scf.for %scan3A_69 = %scan3A_64 to %scan3A_66 step %scan3A_67  : i32 {
      %mul3A_70 = arith.constant 512 : i32
      %mul3A_71 = arith.muli %add3A, %mul3A_70 : i32
      %mul3A_72 = arith.constant 128 : i32
      %mul3A_73 = arith.muli %scan3A_69, %mul3A_72 : i32
      %add3A_74 = arith.addi %mul3A_71, %mul3A_73 : i32
      "tpu.region"() ({
        %run_scoped3A = tpu.sem_alloc : memref<!tpu.dma_semaphore, #tpu.memory_space<semaphore_mem>>
        %dma_start3A_418 = tpu.memref_slice %arg2[%add3A_74] : memref<16384xi32, #tpu.memory_space<hbm>> -> memref<128xi32, #tpu.memory_space<hbm>>
        %dma_start3A_419 = tpu.memref_slice %arg2[%add3A_74] : memref<16384xi32, #tpu.memory_space<hbm>> -> memref<128xi32, #tpu.memory_space<hbm>>
        tpu.enqueue_dma source(%dma_start3A_419 : memref<128xi32, #tpu.memory_space<hbm>>) target(%arg8 : memref<128xi32, #tpu.memory_space<vmem>>) target_semaphore(%run_scoped3A : memref<!tpu.dma_semaphore, #tpu.memory_space<semaphore_mem>>)
        %dma_wait3A_420 = tpu.memref_slice %arg2[%add3A_74] : memref<16384xi32, #tpu.memory_space<hbm>> -> memref<128xi32, #tpu.memory_space<hbm>>
        %dma_wait3A_421 = tpu.memref_slice %arg2[%add3A_74] : memref<16384xi32, #tpu.memory_space<hbm>> -> memref<128xi32, #tpu.memory_space<hbm>>
        tpu.wait_dma2 semaphore(%run_scoped3A : memref<!tpu.dma_semaphore, #tpu.memory_space<semaphore_mem>>) src(%dma_wait3A_421 : memref<128xi32, #tpu.memory_space<hbm>>) dst(%arg8 : memref<128xi32, #tpu.memory_space<vmem>>)
        tpu.yield
      }) : () -> ()
      "tpu.region"() ({
        %run_scoped3A = tpu.sem_alloc : memref<!tpu.dma_semaphore, #tpu.memory_space<semaphore_mem>>
        %dma_start3A_418 = tpu.memref_slice %arg3[%add3A_74] : memref<16384xi32, #tpu.memory_space<hbm>> -> memref<128xi32, #tpu.memory_space<hbm>>
        %dma_start3A_419 = tpu.memref_slice %arg3[%add3A_74] : memref<16384xi32, #tpu.memory_space<hbm>> -> memref<128xi32, #tpu.memory_space<hbm>>
        tpu.enqueue_dma source(%dma_start3A_419 : memref<128xi32, #tpu.memory_space<hbm>>) target(%arg9 : memref<128xi32, #tpu.memory_space<vmem>>) target_semaphore(%run_scoped3A : memref<!tpu.dma_semaphore, #tpu.memory_space<semaphore_mem>>)
        %dma_wait3A_420 = tpu.memref_slice %arg3[%add3A_74] : memref<16384xi32, #tpu.memory_space<hbm>> -> memref<128xi32, #tpu.memory_space<hbm>>
        %dma_wait3A_421 = tpu.memref_slice %arg3[%add3A_74] : memref<16384xi32, #tpu.memory_space<hbm>> -> memref<128xi32, #tpu.memory_space<hbm>>
        tpu.wait_dma2 semaphore(%run_scoped3A : memref<!tpu.dma_semaphore, #tpu.memory_space<semaphore_mem>>) src(%dma_wait3A_421 : memref<128xi32, #tpu.memory_space<hbm>>) dst(%arg9 : memref<128xi32, #tpu.memory_space<vmem>>)
        tpu.yield
      }) : () -> ()
      %mul3A_75 = arith.constant 20 : i32
      %mul3A_76 = arith.muli %add3A_74, %mul3A_75 : i32
      "tpu.region"() ({
        %run_scoped3A = tpu.sem_alloc : memref<!tpu.dma_semaphore, #tpu.memory_space<semaphore_mem>>
        %dma_start3A_418 = tpu.memref_slice %arg4[%mul3A_76] : memref<327680xi32, #tpu.memory_space<hbm>> -> memref<2560xi32, #tpu.memory_space<hbm>>
        %dma_start3A_419 = tpu.memref_slice %arg4[%mul3A_76] : memref<327680xi32, #tpu.memory_space<hbm>> -> memref<2560xi32, #tpu.memory_space<hbm>>
        tpu.enqueue_dma source(%dma_start3A_419 : memref<2560xi32, #tpu.memory_space<hbm>>) target(%arg10 : memref<2560xi32, #tpu.memory_space<vmem>>) target_semaphore(%run_scoped3A : memref<!tpu.dma_semaphore, #tpu.memory_space<semaphore_mem>>)
        %dma_wait3A_420 = tpu.memref_slice %arg4[%mul3A_76] : memref<327680xi32, #tpu.memory_space<hbm>> -> memref<2560xi32, #tpu.memory_space<hbm>>
        %dma_wait3A_421 = tpu.memref_slice %arg4[%mul3A_76] : memref<327680xi32, #tpu.memory_space<hbm>> -> memref<2560xi32, #tpu.memory_space<hbm>>
        tpu.wait_dma2 semaphore(%run_scoped3A : memref<!tpu.dma_semaphore, #tpu.memory_space<semaphore_mem>>) src(%dma_wait3A_421 : memref<2560xi32, #tpu.memory_space<hbm>>) dst(%arg10 : memref<2560xi32, #tpu.memory_space<vmem>>)
        tpu.yield
      }) : () -> ()
      %dma_start3A = arith.constant 0 : i32
      %dma_start3A_77 = arith.constant 0 : i32
      %dma_start3A_78 = tpu.memref_slice %arg5[%dma_start3A, %dma_start3A_77] : memref<1000000x32xf32, #tpu.memory_space<hbm>> -> memref<1000000x32xf32, #tpu.memory_space<hbm>>
      tpu.enqueue_indirect_dma source(%dma_start3A_78 : memref<1000000x32xf32, #tpu.memory_space<hbm>>) target(%arg11 : memref<128x32xf32, #tpu.memory_space<vmem>>) offsets(%arg8 : memref<128xi32, #tpu.memory_space<vmem>>) semaphore(%arg15 : memref<!tpu.dma_semaphore, #tpu.memory_space<semaphore_mem>>)
      %dma_start3A_79 = arith.constant 0 : i32
      %dma_start3A_80 = arith.constant 0 : i32
      %dma_start3A_81 = tpu.memref_slice %arg6[%dma_start3A_79, %dma_start3A_80] : memref<1000000x32xf32, #tpu.memory_space<hbm>> -> memref<1000000x32xf32, #tpu.memory_space<hbm>>
      tpu.enqueue_indirect_dma source(%dma_start3A_81 : memref<1000000x32xf32, #tpu.memory_space<hbm>>) target(%arg12 : memref<128x32xf32, #tpu.memory_space<vmem>>) offsets(%arg9 : memref<128xi32, #tpu.memory_space<vmem>>) semaphore(%arg15 : memref<!tpu.dma_semaphore, #tpu.memory_space<semaphore_mem>>)
      %dma_start3A_82 = arith.constant 0 : i32
      %dma_start3A_83 = arith.constant 0 : i32
      %dma_start3A_84 = tpu.memref_slice %arg13[%dma_start3A_82, %dma_start3A_83] : memref<2560x32xf32, #tpu.memory_space<vmem>> -> memref<128x32xf32, #tpu.memory_space<vmem>>
      %dma_start3A_85 = arith.constant 0 : i32
      %dma_start3A_86 = tpu.memref_slice %arg10[%dma_start3A_85] : memref<2560xi32, #tpu.memory_space<vmem>> -> memref<128xi32, #tpu.memory_space<vmem>>
      %dma_start3A_87 = arith.constant 0 : i32
      %dma_start3A_88 = arith.constant 0 : i32
      %dma_start3A_89 = tpu.memref_slice %arg6[%dma_start3A_87, %dma_start3A_88] : memref<1000000x32xf32, #tpu.memory_space<hbm>> -> memref<1000000x32xf32, #tpu.memory_space<hbm>>
      tpu.enqueue_indirect_dma source(%dma_start3A_89 : memref<1000000x32xf32, #tpu.memory_space<hbm>>) target(%dma_start3A_84 : memref<128x32xf32, #tpu.memory_space<vmem>>) offsets(%dma_start3A_86 : memref<128xi32, #tpu.memory_space<vmem>>) semaphore(%arg15 : memref<!tpu.dma_semaphore, #tpu.memory_space<semaphore_mem>>)
      %dma_start3A_90 = arith.constant 128 : i32
      %dma_start3A_91 = arith.constant 0 : i32
      %dma_start3A_92 = tpu.memref_slice %arg13[%dma_start3A_90, %dma_start3A_91] : memref<2560x32xf32, #tpu.memory_space<vmem>> -> memref<128x32xf32, #tpu.memory_space<vmem>>
      %dma_start3A_93 = arith.constant 128 : i32
      %dma_start3A_94 = tpu.memref_slice %arg10[%dma_start3A_93] : memref<2560xi32, #tpu.memory_space<vmem>> -> memref<128xi32, #tpu.memory_space<vmem>>
      %dma_start3A_95 = arith.constant 0 : i32
      %dma_start3A_96 = arith.constant 0 : i32
      %dma_start3A_97 = tpu.memref_slice %arg6[%dma_start3A_95, %dma_start3A_96] : memref<1000000x32xf32, #tpu.memory_space<hbm>> -> memref<1000000x32xf32, #tpu.memory_space<hbm>>
      tpu.enqueue_indirect_dma source(%dma_start3A_97 : memref<1000000x32xf32, #tpu.memory_space<hbm>>) target(%dma_start3A_92 : memref<128x32xf32, #tpu.memory_space<vmem>>) offsets(%dma_start3A_94 : memref<128xi32, #tpu.memory_space<vmem>>) semaphore(%arg15 : memref<!tpu.dma_semaphore, #tpu.memory_space<semaphore_mem>>)
      %dma_start3A_98 = arith.constant 256 : i32
      %dma_start3A_99 = arith.constant 0 : i32
      %dma_start3A_100 = tpu.memref_slice %arg13[%dma_start3A_98, %dma_start3A_99] : memref<2560x32xf32, #tpu.memory_space<vmem>> -> memref<128x32xf32, #tpu.memory_space<vmem>>
      %dma_start3A_101 = arith.constant 256 : i32
      %dma_start3A_102 = tpu.memref_slice %arg10[%dma_start3A_101] : memref<2560xi32, #tpu.memory_space<vmem>> -> memref<128xi32, #tpu.memory_space<vmem>>
      %dma_start3A_103 = arith.constant 0 : i32
      %dma_start3A_104 = arith.constant 0 : i32
      %dma_start3A_105 = tpu.memref_slice %arg6[%dma_start3A_103, %dma_start3A_104] : memref<1000000x32xf32, #tpu.memory_space<hbm>> -> memref<1000000x32xf32, #tpu.memory_space<hbm>>
      tpu.enqueue_indirect_dma source(%dma_start3A_105 : memref<1000000x32xf32, #tpu.memory_space<hbm>>) target(%dma_start3A_100 : memref<128x32xf32, #tpu.memory_space<vmem>>) offsets(%dma_start3A_102 : memref<128xi32, #tpu.memory_space<vmem>>) semaphore(%arg15 : memref<!tpu.dma_semaphore, #tpu.memory_space<semaphore_mem>>)
      %dma_start3A_106 = arith.constant 384 : i32
      %dma_start3A_107 = arith.constant 0 : i32
      %dma_start3A_108 = tpu.memref_slice %arg13[%dma_start3A_106, %dma_start3A_107] : memref<2560x32xf32, #tpu.memory_space<vmem>> -> memref<128x32xf32, #tpu.memory_space<vmem>>
      %dma_start3A_109 = arith.constant 384 : i32
      %dma_start3A_110 = tpu.memref_slice %arg10[%dma_start3A_109] : memref<2560xi32, #tpu.memory_space<vmem>> -> memref<128xi32, #tpu.memory_space<vmem>>
      %dma_start3A_111 = arith.constant 0 : i32
      %dma_start3A_112 = arith.constant 0 : i32
      %dma_start3A_113 = tpu.memref_slice %arg6[%dma_start3A_111, %dma_start3A_112] : memref<1000000x32xf32, #tpu.memory_space<hbm>> -> memref<1000000x32xf32, #tpu.memory_space<hbm>>
      tpu.enqueue_indirect_dma source(%dma_start3A_113 : memref<1000000x32xf32, #tpu.memory_space<hbm>>) target(%dma_start3A_108 : memref<128x32xf32, #tpu.memory_space<vmem>>) offsets(%dma_start3A_110 : memref<128xi32, #tpu.memory_space<vmem>>) semaphore(%arg15 : memref<!tpu.dma_semaphore, #tpu.memory_space<semaphore_mem>>)
      %dma_start3A_114 = arith.constant 512 : i32
      %dma_start3A_115 = arith.constant 0 : i32
      %dma_start3A_116 = tpu.memref_slice %arg13[%dma_start3A_114, %dma_start3A_115] : memref<2560x32xf32, #tpu.memory_space<vmem>> -> memref<128x32xf32, #tpu.memory_space<vmem>>
      %dma_start3A_117 = arith.constant 512 : i32
      %dma_start3A_118 = tpu.memref_slice %arg10[%dma_start3A_117] : memref<2560xi32, #tpu.memory_space<vmem>> -> memref<128xi32, #tpu.memory_space<vmem>>
      %dma_start3A_119 = arith.constant 0 : i32
      %dma_start3A_120 = arith.constant 0 : i32
      %dma_start3A_121 = tpu.memref_slice %arg6[%dma_start3A_119, %dma_start3A_120] : memref<1000000x32xf32, #tpu.memory_space<hbm>> -> memref<1000000x32xf32, #tpu.memory_space<hbm>>
      tpu.enqueue_indirect_dma source(%dma_start3A_121 : memref<1000000x32xf32, #tpu.memory_space<hbm>>) target(%dma_start3A_116 : memref<128x32xf32, #tpu.memory_space<vmem>>) offsets(%dma_start3A_118 : memref<128xi32, #tpu.memory_space<vmem>>) semaphore(%arg15 : memref<!tpu.dma_semaphore, #tpu.memory_space<semaphore_mem>>)
      %dma_start3A_122 = arith.constant 640 : i32
      %dma_start3A_123 = arith.constant 0 : i32
      %dma_start3A_124 = tpu.memref_slice %arg13[%dma_start3A_122, %dma_start3A_123] : memref<2560x32xf32, #tpu.memory_space<vmem>> -> memref<128x32xf32, #tpu.memory_space<vmem>>
      %dma_start3A_125 = arith.constant 640 : i32
      %dma_start3A_126 = tpu.memref_slice %arg10[%dma_start3A_125] : memref<2560xi32, #tpu.memory_space<vmem>> -> memref<128xi32, #tpu.memory_space<vmem>>
      %dma_start3A_127 = arith.constant 0 : i32
      %dma_start3A_128 = arith.constant 0 : i32
      %dma_start3A_129 = tpu.memref_slice %arg6[%dma_start3A_127, %dma_start3A_128] : memref<1000000x32xf32, #tpu.memory_space<hbm>> -> memref<1000000x32xf32, #tpu.memory_space<hbm>>
      tpu.enqueue_indirect_dma source(%dma_start3A_129 : memref<1000000x32xf32, #tpu.memory_space<hbm>>) target(%dma_start3A_124 : memref<128x32xf32, #tpu.memory_space<vmem>>) offsets(%dma_start3A_126 : memref<128xi32, #tpu.memory_space<vmem>>) semaphore(%arg15 : memref<!tpu.dma_semaphore, #tpu.memory_space<semaphore_mem>>)
      %dma_start3A_130 = arith.constant 768 : i32
      %dma_start3A_131 = arith.constant 0 : i32
      %dma_start3A_132 = tpu.memref_slice %arg13[%dma_start3A_130, %dma_start3A_131] : memref<2560x32xf32, #tpu.memory_space<vmem>> -> memref<128x32xf32, #tpu.memory_space<vmem>>
      %dma_start3A_133 = arith.constant 768 : i32
      %dma_start3A_134 = tpu.memref_slice %arg10[%dma_start3A_133] : memref<2560xi32, #tpu.memory_space<vmem>> -> memref<128xi32, #tpu.memory_space<vmem>>
      %dma_start3A_135 = arith.constant 0 : i32
      %dma_start3A_136 = arith.constant 0 : i32
      %dma_start3A_137 = tpu.memref_slice %arg6[%dma_start3A_135, %dma_start3A_136] : memref<1000000x32xf32, #tpu.memory_space<hbm>> -> memref<1000000x32xf32, #tpu.memory_space<hbm>>
      tpu.enqueue_indirect_dma source(%dma_start3A_137 : memref<1000000x32xf32, #tpu.memory_space<hbm>>) target(%dma_start3A_132 : memref<128x32xf32, #tpu.memory_space<vmem>>) offsets(%dma_start3A_134 : memref<128xi32, #tpu.memory_space<vmem>>) semaphore(%arg15 : memref<!tpu.dma_semaphore, #tpu.memory_space<semaphore_mem>>)
      %dma_start3A_138 = arith.constant 896 : i32
      %dma_start3A_139 = arith.constant 0 : i32
      %dma_start3A_140 = tpu.memref_slice %arg13[%dma_start3A_138, %dma_start3A_139] : memref<2560x32xf32, #tpu.memory_space<vmem>> -> memref<128x32xf32, #tpu.memory_space<vmem>>
      %dma_start3A_141 = arith.constant 896 : i32
      %dma_start3A_142 = tpu.memref_slice %arg10[%dma_start3A_141] : memref<2560xi32, #tpu.memory_space<vmem>> -> memref<128xi32, #tpu.memory_space<vmem>>
      %dma_start3A_143 = arith.constant 0 : i32
      %dma_start3A_144 = arith.constant 0 : i32
      %dma_start3A_145 = tpu.memref_slice %arg6[%dma_start3A_143, %dma_start3A_144] : memref<1000000x32xf32, #tpu.memory_space<hbm>> -> memref<1000000x32xf32, #tpu.memory_space<hbm>>
      tpu.enqueue_indirect_dma source(%dma_start3A_145 : memref<1000000x32xf32, #tpu.memory_space<hbm>>) target(%dma_start3A_140 : memref<128x32xf32, #tpu.memory_space<vmem>>) offsets(%dma_start3A_142 : memref<128xi32, #tpu.memory_space<vmem>>) semaphore(%arg15 : memref<!tpu.dma_semaphore, #tpu.memory_space<semaphore_mem>>)
      %dma_start3A_146 = arith.constant 1024 : i32
      %dma_start3A_147 = arith.constant 0 : i32
      %dma_start3A_148 = tpu.memref_slice %arg13[%dma_start3A_146, %dma_start3A_147] : memref<2560x32xf32, #tpu.memory_space<vmem>> -> memref<128x32xf32, #tpu.memory_space<vmem>>
      %dma_start3A_149 = arith.constant 1024 : i32
      %dma_start3A_150 = tpu.memref_slice %arg10[%dma_start3A_149] : memref<2560xi32, #tpu.memory_space<vmem>> -> memref<128xi32, #tpu.memory_space<vmem>>
      %dma_start3A_151 = arith.constant 0 : i32
      %dma_start3A_152 = arith.constant 0 : i32
      %dma_start3A_153 = tpu.memref_slice %arg6[%dma_start3A_151, %dma_start3A_152] : memref<1000000x32xf32, #tpu.memory_space<hbm>> -> memref<1000000x32xf32, #tpu.memory_space<hbm>>
      tpu.enqueue_indirect_dma source(%dma_start3A_153 : memref<1000000x32xf32, #tpu.memory_space<hbm>>) target(%dma_start3A_148 : memref<128x32xf32, #tpu.memory_space<vmem>>) offsets(%dma_start3A_150 : memref<128xi32, #tpu.memory_space<vmem>>) semaphore(%arg15 : memref<!tpu.dma_semaphore, #tpu.memory_space<semaphore_mem>>)
      %dma_start3A_154 = arith.constant 1152 : i32
      %dma_start3A_155 = arith.constant 0 : i32
      %dma_start3A_156 = tpu.memref_slice %arg13[%dma_start3A_154, %dma_start3A_155] : memref<2560x32xf32, #tpu.memory_space<vmem>> -> memref<128x32xf32, #tpu.memory_space<vmem>>
      %dma_start3A_157 = arith.constant 1152 : i32
      %dma_start3A_158 = tpu.memref_slice %arg10[%dma_start3A_157] : memref<2560xi32, #tpu.memory_space<vmem>> -> memref<128xi32, #tpu.memory_space<vmem>>
      %dma_start3A_159 = arith.constant 0 : i32
      %dma_start3A_160 = arith.constant 0 : i32
      %dma_start3A_161 = tpu.memref_slice %arg6[%dma_start3A_159, %dma_start3A_160] : memref<1000000x32xf32, #tpu.memory_space<hbm>> -> memref<1000000x32xf32, #tpu.memory_space<hbm>>
      tpu.enqueue_indirect_dma source(%dma_start3A_161 : memref<1000000x32xf32, #tpu.memory_space<hbm>>) target(%dma_start3A_156 : memref<128x32xf32, #tpu.memory_space<vmem>>) offsets(%dma_start3A_158 : memref<128xi32, #tpu.memory_space<vmem>>) semaphore(%arg15 : memref<!tpu.dma_semaphore, #tpu.memory_space<semaphore_mem>>)
      %dma_start3A_162 = arith.constant 1280 : i32
      %dma_start3A_163 = arith.constant 0 : i32
      %dma_start3A_164 = tpu.memref_slice %arg13[%dma_start3A_162, %dma_start3A_163] : memref<2560x32xf32, #tpu.memory_space<vmem>> -> memref<128x32xf32, #tpu.memory_space<vmem>>
      %dma_start3A_165 = arith.constant 1280 : i32
      %dma_start3A_166 = tpu.memref_slice %arg10[%dma_start3A_165] : memref<2560xi32, #tpu.memory_space<vmem>> -> memref<128xi32, #tpu.memory_space<vmem>>
      %dma_start3A_167 = arith.constant 0 : i32
      %dma_start3A_168 = arith.constant 0 : i32
      %dma_start3A_169 = tpu.memref_slice %arg6[%dma_start3A_167, %dma_start3A_168] : memref<1000000x32xf32, #tpu.memory_space<hbm>> -> memref<1000000x32xf32, #tpu.memory_space<hbm>>
      tpu.enqueue_indirect_dma source(%dma_start3A_169 : memref<1000000x32xf32, #tpu.memory_space<hbm>>) target(%dma_start3A_164 : memref<128x32xf32, #tpu.memory_space<vmem>>) offsets(%dma_start3A_166 : memref<128xi32, #tpu.memory_space<vmem>>) semaphore(%arg15 : memref<!tpu.dma_semaphore, #tpu.memory_space<semaphore_mem>>)
      %dma_start3A_170 = arith.constant 1408 : i32
      %dma_start3A_171 = arith.constant 0 : i32
      %dma_start3A_172 = tpu.memref_slice %arg13[%dma_start3A_170, %dma_start3A_171] : memref<2560x32xf32, #tpu.memory_space<vmem>> -> memref<128x32xf32, #tpu.memory_space<vmem>>
      %dma_start3A_173 = arith.constant 1408 : i32
      %dma_start3A_174 = tpu.memref_slice %arg10[%dma_start3A_173] : memref<2560xi32, #tpu.memory_space<vmem>> -> memref<128xi32, #tpu.memory_space<vmem>>
      %dma_start3A_175 = arith.constant 0 : i32
      %dma_start3A_176 = arith.constant 0 : i32
      %dma_start3A_177 = tpu.memref_slice %arg6[%dma_start3A_175, %dma_start3A_176] : memref<1000000x32xf32, #tpu.memory_space<hbm>> -> memref<1000000x32xf32, #tpu.memory_space<hbm>>
      tpu.enqueue_indirect_dma source(%dma_start3A_177 : memref<1000000x32xf32, #tpu.memory_space<hbm>>) target(%dma_start3A_172 : memref<128x32xf32, #tpu.memory_space<vmem>>) offsets(%dma_start3A_174 : memref<128xi32, #tpu.memory_space<vmem>>) semaphore(%arg15 : memref<!tpu.dma_semaphore, #tpu.memory_space<semaphore_mem>>)
      %dma_start3A_178 = arith.constant 1536 : i32
      %dma_start3A_179 = arith.constant 0 : i32
      %dma_start3A_180 = tpu.memref_slice %arg13[%dma_start3A_178, %dma_start3A_179] : memref<2560x32xf32, #tpu.memory_space<vmem>> -> memref<128x32xf32, #tpu.memory_space<vmem>>
      %dma_start3A_181 = arith.constant 1536 : i32
      %dma_start3A_182 = tpu.memref_slice %arg10[%dma_start3A_181] : memref<2560xi32, #tpu.memory_space<vmem>> -> memref<128xi32, #tpu.memory_space<vmem>>
      %dma_start3A_183 = arith.constant 0 : i32
      %dma_start3A_184 = arith.constant 0 : i32
      %dma_start3A_185 = tpu.memref_slice %arg6[%dma_start3A_183, %dma_start3A_184] : memref<1000000x32xf32, #tpu.memory_space<hbm>> -> memref<1000000x32xf32, #tpu.memory_space<hbm>>
      tpu.enqueue_indirect_dma source(%dma_start3A_185 : memref<1000000x32xf32, #tpu.memory_space<hbm>>) target(%dma_start3A_180 : memref<128x32xf32, #tpu.memory_space<vmem>>) offsets(%dma_start3A_182 : memref<128xi32, #tpu.memory_space<vmem>>) semaphore(%arg15 : memref<!tpu.dma_semaphore, #tpu.memory_space<semaphore_mem>>)
      %dma_start3A_186 = arith.constant 1664 : i32
      %dma_start3A_187 = arith.constant 0 : i32
      %dma_start3A_188 = tpu.memref_slice %arg13[%dma_start3A_186, %dma_start3A_187] : memref<2560x32xf32, #tpu.memory_space<vmem>> -> memref<128x32xf32, #tpu.memory_space<vmem>>
      %dma_start3A_189 = arith.constant 1664 : i32
      %dma_start3A_190 = tpu.memref_slice %arg10[%dma_start3A_189] : memref<2560xi32, #tpu.memory_space<vmem>> -> memref<128xi32, #tpu.memory_space<vmem>>
      %dma_start3A_191 = arith.constant 0 : i32
      %dma_start3A_192 = arith.constant 0 : i32
      %dma_start3A_193 = tpu.memref_slice %arg6[%dma_start3A_191, %dma_start3A_192] : memref<1000000x32xf32, #tpu.memory_space<hbm>> -> memref<1000000x32xf32, #tpu.memory_space<hbm>>
      tpu.enqueue_indirect_dma source(%dma_start3A_193 : memref<1000000x32xf32, #tpu.memory_space<hbm>>) target(%dma_start3A_188 : memref<128x32xf32, #tpu.memory_space<vmem>>) offsets(%dma_start3A_190 : memref<128xi32, #tpu.memory_space<vmem>>) semaphore(%arg15 : memref<!tpu.dma_semaphore, #tpu.memory_space<semaphore_mem>>)
      %dma_start3A_194 = arith.constant 1792 : i32
      %dma_start3A_195 = arith.constant 0 : i32
      %dma_start3A_196 = tpu.memref_slice %arg13[%dma_start3A_194, %dma_start3A_195] : memref<2560x32xf32, #tpu.memory_space<vmem>> -> memref<128x32xf32, #tpu.memory_space<vmem>>
      %dma_start3A_197 = arith.constant 1792 : i32
      %dma_start3A_198 = tpu.memref_slice %arg10[%dma_start3A_197] : memref<2560xi32, #tpu.memory_space<vmem>> -> memref<128xi32, #tpu.memory_space<vmem>>
      %dma_start3A_199 = arith.constant 0 : i32
      %dma_start3A_200 = arith.constant 0 : i32
      %dma_start3A_201 = tpu.memref_slice %arg6[%dma_start3A_199, %dma_start3A_200] : memref<1000000x32xf32, #tpu.memory_space<hbm>> -> memref<1000000x32xf32, #tpu.memory_space<hbm>>
      tpu.enqueue_indirect_dma source(%dma_start3A_201 : memref<1000000x32xf32, #tpu.memory_space<hbm>>) target(%dma_start3A_196 : memref<128x32xf32, #tpu.memory_space<vmem>>) offsets(%dma_start3A_198 : memref<128xi32, #tpu.memory_space<vmem>>) semaphore(%arg15 : memref<!tpu.dma_semaphore, #tpu.memory_space<semaphore_mem>>)
      %dma_start3A_202 = arith.constant 1920 : i32
      %dma_start3A_203 = arith.constant 0 : i32
      %dma_start3A_204 = tpu.memref_slice %arg13[%dma_start3A_202, %dma_start3A_203] : memref<2560x32xf32, #tpu.memory_space<vmem>> -> memref<128x32xf32, #tpu.memory_space<vmem>>
      %dma_start3A_205 = arith.constant 1920 : i32
      %dma_start3A_206 = tpu.memref_slice %arg10[%dma_start3A_205] : memref<2560xi32, #tpu.memory_space<vmem>> -> memref<128xi32, #tpu.memory_space<vmem>>
      %dma_start3A_207 = arith.constant 0 : i32
      %dma_start3A_208 = arith.constant 0 : i32
      %dma_start3A_209 = tpu.memref_slice %arg6[%dma_start3A_207, %dma_start3A_208] : memref<1000000x32xf32, #tpu.memory_space<hbm>> -> memref<1000000x32xf32, #tpu.memory_space<hbm>>
      tpu.enqueue_indirect_dma source(%dma_start3A_209 : memref<1000000x32xf32, #tpu.memory_space<hbm>>) target(%dma_start3A_204 : memref<128x32xf32, #tpu.memory_space<vmem>>) offsets(%dma_start3A_206 : memref<128xi32, #tpu.memory_space<vmem>>) semaphore(%arg15 : memref<!tpu.dma_semaphore, #tpu.memory_space<semaphore_mem>>)
      %dma_start3A_210 = arith.constant 2048 : i32
      %dma_start3A_211 = arith.constant 0 : i32
      %dma_start3A_212 = tpu.memref_slice %arg13[%dma_start3A_210, %dma_start3A_211] : memref<2560x32xf32, #tpu.memory_space<vmem>> -> memref<128x32xf32, #tpu.memory_space<vmem>>
      %dma_start3A_213 = arith.constant 2048 : i32
      %dma_start3A_214 = tpu.memref_slice %arg10[%dma_start3A_213] : memref<2560xi32, #tpu.memory_space<vmem>> -> memref<128xi32, #tpu.memory_space<vmem>>
      %dma_start3A_215 = arith.constant 0 : i32
      %dma_start3A_216 = arith.constant 0 : i32
      %dma_start3A_217 = tpu.memref_slice %arg6[%dma_start3A_215, %dma_start3A_216] : memref<1000000x32xf32, #tpu.memory_space<hbm>> -> memref<1000000x32xf32, #tpu.memory_space<hbm>>
      tpu.enqueue_indirect_dma source(%dma_start3A_217 : memref<1000000x32xf32, #tpu.memory_space<hbm>>) target(%dma_start3A_212 : memref<128x32xf32, #tpu.memory_space<vmem>>) offsets(%dma_start3A_214 : memref<128xi32, #tpu.memory_space<vmem>>) semaphore(%arg15 : memref<!tpu.dma_semaphore, #tpu.memory_space<semaphore_mem>>)
      %dma_start3A_218 = arith.constant 2176 : i32
      %dma_start3A_219 = arith.constant 0 : i32
      %dma_start3A_220 = tpu.memref_slice %arg13[%dma_start3A_218, %dma_start3A_219] : memref<2560x32xf32, #tpu.memory_space<vmem>> -> memref<128x32xf32, #tpu.memory_space<vmem>>
      %dma_start3A_221 = arith.constant 2176 : i32
      %dma_start3A_222 = tpu.memref_slice %arg10[%dma_start3A_221] : memref<2560xi32, #tpu.memory_space<vmem>> -> memref<128xi32, #tpu.memory_space<vmem>>
      %dma_start3A_223 = arith.constant 0 : i32
      %dma_start3A_224 = arith.constant 0 : i32
      %dma_start3A_225 = tpu.memref_slice %arg6[%dma_start3A_223, %dma_start3A_224] : memref<1000000x32xf32, #tpu.memory_space<hbm>> -> memref<1000000x32xf32, #tpu.memory_space<hbm>>
      tpu.enqueue_indirect_dma source(%dma_start3A_225 : memref<1000000x32xf32, #tpu.memory_space<hbm>>) target(%dma_start3A_220 : memref<128x32xf32, #tpu.memory_space<vmem>>) offsets(%dma_start3A_222 : memref<128xi32, #tpu.memory_space<vmem>>) semaphore(%arg15 : memref<!tpu.dma_semaphore, #tpu.memory_space<semaphore_mem>>)
      %dma_start3A_226 = arith.constant 2304 : i32
      %dma_start3A_227 = arith.constant 0 : i32
      %dma_start3A_228 = tpu.memref_slice %arg13[%dma_start3A_226, %dma_start3A_227] : memref<2560x32xf32, #tpu.memory_space<vmem>> -> memref<128x32xf32, #tpu.memory_space<vmem>>
      %dma_start3A_229 = arith.constant 2304 : i32
      %dma_start3A_230 = tpu.memref_slice %arg10[%dma_start3A_229] : memref<2560xi32, #tpu.memory_space<vmem>> -> memref<128xi32, #tpu.memory_space<vmem>>
      %dma_start3A_231 = arith.constant 0 : i32
      %dma_start3A_232 = arith.constant 0 : i32
      %dma_start3A_233 = tpu.memref_slice %arg6[%dma_start3A_231, %dma_start3A_232] : memref<1000000x32xf32, #tpu.memory_space<hbm>> -> memref<1000000x32xf32, #tpu.memory_space<hbm>>
      tpu.enqueue_indirect_dma source(%dma_start3A_233 : memref<1000000x32xf32, #tpu.memory_space<hbm>>) target(%dma_start3A_228 : memref<128x32xf32, #tpu.memory_space<vmem>>) offsets(%dma_start3A_230 : memref<128xi32, #tpu.memory_space<vmem>>) semaphore(%arg15 : memref<!tpu.dma_semaphore, #tpu.memory_space<semaphore_mem>>)
      %dma_start3A_234 = arith.constant 2432 : i32
      %dma_start3A_235 = arith.constant 0 : i32
      %dma_start3A_236 = tpu.memref_slice %arg13[%dma_start3A_234, %dma_start3A_235] : memref<2560x32xf32, #tpu.memory_space<vmem>> -> memref<128x32xf32, #tpu.memory_space<vmem>>
      %dma_start3A_237 = arith.constant 2432 : i32
      %dma_start3A_238 = tpu.memref_slice %arg10[%dma_start3A_237] : memref<2560xi32, #tpu.memory_space<vmem>> -> memref<128xi32, #tpu.memory_space<vmem>>
      %dma_start3A_239 = arith.constant 0 : i32
      %dma_start3A_240 = arith.constant 0 : i32
      %dma_start3A_241 = tpu.memref_slice %arg6[%dma_start3A_239, %dma_start3A_240] : memref<1000000x32xf32, #tpu.memory_space<hbm>> -> memref<1000000x32xf32, #tpu.memory_space<hbm>>
      tpu.enqueue_indirect_dma source(%dma_start3A_241 : memref<1000000x32xf32, #tpu.memory_space<hbm>>) target(%dma_start3A_236 : memref<128x32xf32, #tpu.memory_space<vmem>>) offsets(%dma_start3A_238 : memref<128xi32, #tpu.memory_space<vmem>>) semaphore(%arg15 : memref<!tpu.dma_semaphore, #tpu.memory_space<semaphore_mem>>)
      %dma_wait3A = arith.constant 0 : i32
      %dma_wait3A_242 = arith.constant 0 : i32
      %dma_wait3A_243 = tpu.memref_slice %arg5[%dma_wait3A, %dma_wait3A_242] : memref<1000000x32xf32, #tpu.memory_space<hbm>> -> memref<1000000x32xf32, #tpu.memory_space<hbm>>
      tpu.wait_indirect_dma semaphore(%arg15 : memref<!tpu.dma_semaphore, #tpu.memory_space<semaphore_mem>>) src(%dma_wait3A_243 : memref<1000000x32xf32, #tpu.memory_space<hbm>>) dst(%arg11 : memref<128x32xf32, #tpu.memory_space<vmem>>)
      %dma_wait3A_244 = arith.constant 0 : i32
      %dma_wait3A_245 = arith.constant 0 : i32
      %dma_wait3A_246 = tpu.memref_slice %arg6[%dma_wait3A_244, %dma_wait3A_245] : memref<1000000x32xf32, #tpu.memory_space<hbm>> -> memref<1000000x32xf32, #tpu.memory_space<hbm>>
      tpu.wait_indirect_dma semaphore(%arg15 : memref<!tpu.dma_semaphore, #tpu.memory_space<semaphore_mem>>) src(%dma_wait3A_246 : memref<1000000x32xf32, #tpu.memory_space<hbm>>) dst(%arg12 : memref<128x32xf32, #tpu.memory_space<vmem>>)
      %dma_wait3A_247 = arith.constant 0 : i32
      %dma_wait3A_248 = arith.constant 0 : i32
      %dma_wait3A_249 = tpu.memref_slice %arg13[%dma_wait3A_247, %dma_wait3A_248] : memref<2560x32xf32, #tpu.memory_space<vmem>> -> memref<128x32xf32, #tpu.memory_space<vmem>>
      %dma_wait3A_250 = arith.constant 0 : i32
      %dma_wait3A_251 = tpu.memref_slice %arg10[%dma_wait3A_250] : memref<2560xi32, #tpu.memory_space<vmem>> -> memref<128xi32, #tpu.memory_space<vmem>>
      %dma_wait3A_252 = arith.constant 0 : i32
      %dma_wait3A_253 = arith.constant 0 : i32
      %dma_wait3A_254 = tpu.memref_slice %arg6[%dma_wait3A_252, %dma_wait3A_253] : memref<1000000x32xf32, #tpu.memory_space<hbm>> -> memref<1000000x32xf32, #tpu.memory_space<hbm>>
      tpu.wait_indirect_dma semaphore(%arg15 : memref<!tpu.dma_semaphore, #tpu.memory_space<semaphore_mem>>) src(%dma_wait3A_254 : memref<1000000x32xf32, #tpu.memory_space<hbm>>) dst(%dma_wait3A_249 : memref<128x32xf32, #tpu.memory_space<vmem>>)
      %dma_wait3A_255 = arith.constant 128 : i32
      %dma_wait3A_256 = arith.constant 0 : i32
      %dma_wait3A_257 = tpu.memref_slice %arg13[%dma_wait3A_255, %dma_wait3A_256] : memref<2560x32xf32, #tpu.memory_space<vmem>> -> memref<128x32xf32, #tpu.memory_space<vmem>>
      %dma_wait3A_258 = arith.constant 128 : i32
      %dma_wait3A_259 = tpu.memref_slice %arg10[%dma_wait3A_258] : memref<2560xi32, #tpu.memory_space<vmem>> -> memref<128xi32, #tpu.memory_space<vmem>>
      %dma_wait3A_260 = arith.constant 0 : i32
      %dma_wait3A_261 = arith.constant 0 : i32
      %dma_wait3A_262 = tpu.memref_slice %arg6[%dma_wait3A_260, %dma_wait3A_261] : memref<1000000x32xf32, #tpu.memory_space<hbm>> -> memref<1000000x32xf32, #tpu.memory_space<hbm>>
      tpu.wait_indirect_dma semaphore(%arg15 : memref<!tpu.dma_semaphore, #tpu.memory_space<semaphore_mem>>) src(%dma_wait3A_262 : memref<1000000x32xf32, #tpu.memory_space<hbm>>) dst(%dma_wait3A_257 : memref<128x32xf32, #tpu.memory_space<vmem>>)
      %dma_wait3A_263 = arith.constant 256 : i32
      %dma_wait3A_264 = arith.constant 0 : i32
      %dma_wait3A_265 = tpu.memref_slice %arg13[%dma_wait3A_263, %dma_wait3A_264] : memref<2560x32xf32, #tpu.memory_space<vmem>> -> memref<128x32xf32, #tpu.memory_space<vmem>>
      %dma_wait3A_266 = arith.constant 256 : i32
      %dma_wait3A_267 = tpu.memref_slice %arg10[%dma_wait3A_266] : memref<2560xi32, #tpu.memory_space<vmem>> -> memref<128xi32, #tpu.memory_space<vmem>>
      %dma_wait3A_268 = arith.constant 0 : i32
      %dma_wait3A_269 = arith.constant 0 : i32
      %dma_wait3A_270 = tpu.memref_slice %arg6[%dma_wait3A_268, %dma_wait3A_269] : memref<1000000x32xf32, #tpu.memory_space<hbm>> -> memref<1000000x32xf32, #tpu.memory_space<hbm>>
      tpu.wait_indirect_dma semaphore(%arg15 : memref<!tpu.dma_semaphore, #tpu.memory_space<semaphore_mem>>) src(%dma_wait3A_270 : memref<1000000x32xf32, #tpu.memory_space<hbm>>) dst(%dma_wait3A_265 : memref<128x32xf32, #tpu.memory_space<vmem>>)
      %dma_wait3A_271 = arith.constant 384 : i32
      %dma_wait3A_272 = arith.constant 0 : i32
      %dma_wait3A_273 = tpu.memref_slice %arg13[%dma_wait3A_271, %dma_wait3A_272] : memref<2560x32xf32, #tpu.memory_space<vmem>> -> memref<128x32xf32, #tpu.memory_space<vmem>>
      %dma_wait3A_274 = arith.constant 384 : i32
      %dma_wait3A_275 = tpu.memref_slice %arg10[%dma_wait3A_274] : memref<2560xi32, #tpu.memory_space<vmem>> -> memref<128xi32, #tpu.memory_space<vmem>>
      %dma_wait3A_276 = arith.constant 0 : i32
      %dma_wait3A_277 = arith.constant 0 : i32
      %dma_wait3A_278 = tpu.memref_slice %arg6[%dma_wait3A_276, %dma_wait3A_277] : memref<1000000x32xf32, #tpu.memory_space<hbm>> -> memref<1000000x32xf32, #tpu.memory_space<hbm>>
      tpu.wait_indirect_dma semaphore(%arg15 : memref<!tpu.dma_semaphore, #tpu.memory_space<semaphore_mem>>) src(%dma_wait3A_278 : memref<1000000x32xf32, #tpu.memory_space<hbm>>) dst(%dma_wait3A_273 : memref<128x32xf32, #tpu.memory_space<vmem>>)
      %dma_wait3A_279 = arith.constant 512 : i32
      %dma_wait3A_280 = arith.constant 0 : i32
      %dma_wait3A_281 = tpu.memref_slice %arg13[%dma_wait3A_279, %dma_wait3A_280] : memref<2560x32xf32, #tpu.memory_space<vmem>> -> memref<128x32xf32, #tpu.memory_space<vmem>>
      %dma_wait3A_282 = arith.constant 512 : i32
      %dma_wait3A_283 = tpu.memref_slice %arg10[%dma_wait3A_282] : memref<2560xi32, #tpu.memory_space<vmem>> -> memref<128xi32, #tpu.memory_space<vmem>>
      %dma_wait3A_284 = arith.constant 0 : i32
      %dma_wait3A_285 = arith.constant 0 : i32
      %dma_wait3A_286 = tpu.memref_slice %arg6[%dma_wait3A_284, %dma_wait3A_285] : memref<1000000x32xf32, #tpu.memory_space<hbm>> -> memref<1000000x32xf32, #tpu.memory_space<hbm>>
      tpu.wait_indirect_dma semaphore(%arg15 : memref<!tpu.dma_semaphore, #tpu.memory_space<semaphore_mem>>) src(%dma_wait3A_286 : memref<1000000x32xf32, #tpu.memory_space<hbm>>) dst(%dma_wait3A_281 : memref<128x32xf32, #tpu.memory_space<vmem>>)
      %dma_wait3A_287 = arith.constant 640 : i32
      %dma_wait3A_288 = arith.constant 0 : i32
      %dma_wait3A_289 = tpu.memref_slice %arg13[%dma_wait3A_287, %dma_wait3A_288] : memref<2560x32xf32, #tpu.memory_space<vmem>> -> memref<128x32xf32, #tpu.memory_space<vmem>>
      %dma_wait3A_290 = arith.constant 640 : i32
      %dma_wait3A_291 = tpu.memref_slice %arg10[%dma_wait3A_290] : memref<2560xi32, #tpu.memory_space<vmem>> -> memref<128xi32, #tpu.memory_space<vmem>>
      %dma_wait3A_292 = arith.constant 0 : i32
      %dma_wait3A_293 = arith.constant 0 : i32
      %dma_wait3A_294 = tpu.memref_slice %arg6[%dma_wait3A_292, %dma_wait3A_293] : memref<1000000x32xf32, #tpu.memory_space<hbm>> -> memref<1000000x32xf32, #tpu.memory_space<hbm>>
      tpu.wait_indirect_dma semaphore(%arg15 : memref<!tpu.dma_semaphore, #tpu.memory_space<semaphore_mem>>) src(%dma_wait3A_294 : memref<1000000x32xf32, #tpu.memory_space<hbm>>) dst(%dma_wait3A_289 : memref<128x32xf32, #tpu.memory_space<vmem>>)
      %dma_wait3A_295 = arith.constant 768 : i32
      %dma_wait3A_296 = arith.constant 0 : i32
      %dma_wait3A_297 = tpu.memref_slice %arg13[%dma_wait3A_295, %dma_wait3A_296] : memref<2560x32xf32, #tpu.memory_space<vmem>> -> memref<128x32xf32, #tpu.memory_space<vmem>>
      %dma_wait3A_298 = arith.constant 768 : i32
      %dma_wait3A_299 = tpu.memref_slice %arg10[%dma_wait3A_298] : memref<2560xi32, #tpu.memory_space<vmem>> -> memref<128xi32, #tpu.memory_space<vmem>>
      %dma_wait3A_300 = arith.constant 0 : i32
      %dma_wait3A_301 = arith.constant 0 : i32
      %dma_wait3A_302 = tpu.memref_slice %arg6[%dma_wait3A_300, %dma_wait3A_301] : memref<1000000x32xf32, #tpu.memory_space<hbm>> -> memref<1000000x32xf32, #tpu.memory_space<hbm>>
      tpu.wait_indirect_dma semaphore(%arg15 : memref<!tpu.dma_semaphore, #tpu.memory_space<semaphore_mem>>) src(%dma_wait3A_302 : memref<1000000x32xf32, #tpu.memory_space<hbm>>) dst(%dma_wait3A_297 : memref<128x32xf32, #tpu.memory_space<vmem>>)
      %dma_wait3A_303 = arith.constant 896 : i32
      %dma_wait3A_304 = arith.constant 0 : i32
      %dma_wait3A_305 = tpu.memref_slice %arg13[%dma_wait3A_303, %dma_wait3A_304] : memref<2560x32xf32, #tpu.memory_space<vmem>> -> memref<128x32xf32, #tpu.memory_space<vmem>>
      %dma_wait3A_306 = arith.constant 896 : i32
      %dma_wait3A_307 = tpu.memref_slice %arg10[%dma_wait3A_306] : memref<2560xi32, #tpu.memory_space<vmem>> -> memref<128xi32, #tpu.memory_space<vmem>>
      %dma_wait3A_308 = arith.constant 0 : i32
      %dma_wait3A_309 = arith.constant 0 : i32
      %dma_wait3A_310 = tpu.memref_slice %arg6[%dma_wait3A_308, %dma_wait3A_309] : memref<1000000x32xf32, #tpu.memory_space<hbm>> -> memref<1000000x32xf32, #tpu.memory_space<hbm>>
      tpu.wait_indirect_dma semaphore(%arg15 : memref<!tpu.dma_semaphore, #tpu.memory_space<semaphore_mem>>) src(%dma_wait3A_310 : memref<1000000x32xf32, #tpu.memory_space<hbm>>) dst(%dma_wait3A_305 : memref<128x32xf32, #tpu.memory_space<vmem>>)
      %dma_wait3A_311 = arith.constant 1024 : i32
      %dma_wait3A_312 = arith.constant 0 : i32
      %dma_wait3A_313 = tpu.memref_slice %arg13[%dma_wait3A_311, %dma_wait3A_312] : memref<2560x32xf32, #tpu.memory_space<vmem>> -> memref<128x32xf32, #tpu.memory_space<vmem>>
      %dma_wait3A_314 = arith.constant 1024 : i32
      %dma_wait3A_315 = tpu.memref_slice %arg10[%dma_wait3A_314] : memref<2560xi32, #tpu.memory_space<vmem>> -> memref<128xi32, #tpu.memory_space<vmem>>
      %dma_wait3A_316 = arith.constant 0 : i32
      %dma_wait3A_317 = arith.constant 0 : i32
      %dma_wait3A_318 = tpu.memref_slice %arg6[%dma_wait3A_316, %dma_wait3A_317] : memref<1000000x32xf32, #tpu.memory_space<hbm>> -> memref<1000000x32xf32, #tpu.memory_space<hbm>>
      tpu.wait_indirect_dma semaphore(%arg15 : memref<!tpu.dma_semaphore, #tpu.memory_space<semaphore_mem>>) src(%dma_wait3A_318 : memref<1000000x32xf32, #tpu.memory_space<hbm>>) dst(%dma_wait3A_313 : memref<128x32xf32, #tpu.memory_space<vmem>>)
      %dma_wait3A_319 = arith.constant 1152 : i32
      %dma_wait3A_320 = arith.constant 0 : i32
      %dma_wait3A_321 = tpu.memref_slice %arg13[%dma_wait3A_319, %dma_wait3A_320] : memref<2560x32xf32, #tpu.memory_space<vmem>> -> memref<128x32xf32, #tpu.memory_space<vmem>>
      %dma_wait3A_322 = arith.constant 1152 : i32
      %dma_wait3A_323 = tpu.memref_slice %arg10[%dma_wait3A_322] : memref<2560xi32, #tpu.memory_space<vmem>> -> memref<128xi32, #tpu.memory_space<vmem>>
      %dma_wait3A_324 = arith.constant 0 : i32
      %dma_wait3A_325 = arith.constant 0 : i32
      %dma_wait3A_326 = tpu.memref_slice %arg6[%dma_wait3A_324, %dma_wait3A_325] : memref<1000000x32xf32, #tpu.memory_space<hbm>> -> memref<1000000x32xf32, #tpu.memory_space<hbm>>
      tpu.wait_indirect_dma semaphore(%arg15 : memref<!tpu.dma_semaphore, #tpu.memory_space<semaphore_mem>>) src(%dma_wait3A_326 : memref<1000000x32xf32, #tpu.memory_space<hbm>>) dst(%dma_wait3A_321 : memref<128x32xf32, #tpu.memory_space<vmem>>)
      %dma_wait3A_327 = arith.constant 1280 : i32
      %dma_wait3A_328 = arith.constant 0 : i32
      %dma_wait3A_329 = tpu.memref_slice %arg13[%dma_wait3A_327, %dma_wait3A_328] : memref<2560x32xf32, #tpu.memory_space<vmem>> -> memref<128x32xf32, #tpu.memory_space<vmem>>
      %dma_wait3A_330 = arith.constant 1280 : i32
      %dma_wait3A_331 = tpu.memref_slice %arg10[%dma_wait3A_330] : memref<2560xi32, #tpu.memory_space<vmem>> -> memref<128xi32, #tpu.memory_space<vmem>>
      %dma_wait3A_332 = arith.constant 0 : i32
      %dma_wait3A_333 = arith.constant 0 : i32
      %dma_wait3A_334 = tpu.memref_slice %arg6[%dma_wait3A_332, %dma_wait3A_333] : memref<1000000x32xf32, #tpu.memory_space<hbm>> -> memref<1000000x32xf32, #tpu.memory_space<hbm>>
      tpu.wait_indirect_dma semaphore(%arg15 : memref<!tpu.dma_semaphore, #tpu.memory_space<semaphore_mem>>) src(%dma_wait3A_334 : memref<1000000x32xf32, #tpu.memory_space<hbm>>) dst(%dma_wait3A_329 : memref<128x32xf32, #tpu.memory_space<vmem>>)
      %dma_wait3A_335 = arith.constant 1408 : i32
      %dma_wait3A_336 = arith.constant 0 : i32
      %dma_wait3A_337 = tpu.memref_slice %arg13[%dma_wait3A_335, %dma_wait3A_336] : memref<2560x32xf32, #tpu.memory_space<vmem>> -> memref<128x32xf32, #tpu.memory_space<vmem>>
      %dma_wait3A_338 = arith.constant 1408 : i32
      %dma_wait3A_339 = tpu.memref_slice %arg10[%dma_wait3A_338] : memref<2560xi32, #tpu.memory_space<vmem>> -> memref<128xi32, #tpu.memory_space<vmem>>
      %dma_wait3A_340 = arith.constant 0 : i32
      %dma_wait3A_341 = arith.constant 0 : i32
      %dma_wait3A_342 = tpu.memref_slice %arg6[%dma_wait3A_340, %dma_wait3A_341] : memref<1000000x32xf32, #tpu.memory_space<hbm>> -> memref<1000000x32xf32, #tpu.memory_space<hbm>>
      tpu.wait_indirect_dma semaphore(%arg15 : memref<!tpu.dma_semaphore, #tpu.memory_space<semaphore_mem>>) src(%dma_wait3A_342 : memref<1000000x32xf32, #tpu.memory_space<hbm>>) dst(%dma_wait3A_337 : memref<128x32xf32, #tpu.memory_space<vmem>>)
      %dma_wait3A_343 = arith.constant 1536 : i32
      %dma_wait3A_344 = arith.constant 0 : i32
      %dma_wait3A_345 = tpu.memref_slice %arg13[%dma_wait3A_343, %dma_wait3A_344] : memref<2560x32xf32, #tpu.memory_space<vmem>> -> memref<128x32xf32, #tpu.memory_space<vmem>>
      %dma_wait3A_346 = arith.constant 1536 : i32
      %dma_wait3A_347 = tpu.memref_slice %arg10[%dma_wait3A_346] : memref<2560xi32, #tpu.memory_space<vmem>> -> memref<128xi32, #tpu.memory_space<vmem>>
      %dma_wait3A_348 = arith.constant 0 : i32
      %dma_wait3A_349 = arith.constant 0 : i32
      %dma_wait3A_350 = tpu.memref_slice %arg6[%dma_wait3A_348, %dma_wait3A_349] : memref<1000000x32xf32, #tpu.memory_space<hbm>> -> memref<1000000x32xf32, #tpu.memory_space<hbm>>
      tpu.wait_indirect_dma semaphore(%arg15 : memref<!tpu.dma_semaphore, #tpu.memory_space<semaphore_mem>>) src(%dma_wait3A_350 : memref<1000000x32xf32, #tpu.memory_space<hbm>>) dst(%dma_wait3A_345 : memref<128x32xf32, #tpu.memory_space<vmem>>)
      %dma_wait3A_351 = arith.constant 1664 : i32
      %dma_wait3A_352 = arith.constant 0 : i32
      %dma_wait3A_353 = tpu.memref_slice %arg13[%dma_wait3A_351, %dma_wait3A_352] : memref<2560x32xf32, #tpu.memory_space<vmem>> -> memref<128x32xf32, #tpu.memory_space<vmem>>
      %dma_wait3A_354 = arith.constant 1664 : i32
      %dma_wait3A_355 = tpu.memref_slice %arg10[%dma_wait3A_354] : memref<2560xi32, #tpu.memory_space<vmem>> -> memref<128xi32, #tpu.memory_space<vmem>>
      %dma_wait3A_356 = arith.constant 0 : i32
      %dma_wait3A_357 = arith.constant 0 : i32
      %dma_wait3A_358 = tpu.memref_slice %arg6[%dma_wait3A_356, %dma_wait3A_357] : memref<1000000x32xf32, #tpu.memory_space<hbm>> -> memref<1000000x32xf32, #tpu.memory_space<hbm>>
      tpu.wait_indirect_dma semaphore(%arg15 : memref<!tpu.dma_semaphore, #tpu.memory_space<semaphore_mem>>) src(%dma_wait3A_358 : memref<1000000x32xf32, #tpu.memory_space<hbm>>) dst(%dma_wait3A_353 : memref<128x32xf32, #tpu.memory_space<vmem>>)
      %dma_wait3A_359 = arith.constant 1792 : i32
      %dma_wait3A_360 = arith.constant 0 : i32
      %dma_wait3A_361 = tpu.memref_slice %arg13[%dma_wait3A_359, %dma_wait3A_360] : memref<2560x32xf32, #tpu.memory_space<vmem>> -> memref<128x32xf32, #tpu.memory_space<vmem>>
      %dma_wait3A_362 = arith.constant 1792 : i32
      %dma_wait3A_363 = tpu.memref_slice %arg10[%dma_wait3A_362] : memref<2560xi32, #tpu.memory_space<vmem>> -> memref<128xi32, #tpu.memory_space<vmem>>
      %dma_wait3A_364 = arith.constant 0 : i32
      %dma_wait3A_365 = arith.constant 0 : i32
      %dma_wait3A_366 = tpu.memref_slice %arg6[%dma_wait3A_364, %dma_wait3A_365] : memref<1000000x32xf32, #tpu.memory_space<hbm>> -> memref<1000000x32xf32, #tpu.memory_space<hbm>>
      tpu.wait_indirect_dma semaphore(%arg15 : memref<!tpu.dma_semaphore, #tpu.memory_space<semaphore_mem>>) src(%dma_wait3A_366 : memref<1000000x32xf32, #tpu.memory_space<hbm>>) dst(%dma_wait3A_361 : memref<128x32xf32, #tpu.memory_space<vmem>>)
      %dma_wait3A_367 = arith.constant 1920 : i32
      %dma_wait3A_368 = arith.constant 0 : i32
      %dma_wait3A_369 = tpu.memref_slice %arg13[%dma_wait3A_367, %dma_wait3A_368] : memref<2560x32xf32, #tpu.memory_space<vmem>> -> memref<128x32xf32, #tpu.memory_space<vmem>>
      %dma_wait3A_370 = arith.constant 1920 : i32
      %dma_wait3A_371 = tpu.memref_slice %arg10[%dma_wait3A_370] : memref<2560xi32, #tpu.memory_space<vmem>> -> memref<128xi32, #tpu.memory_space<vmem>>
      %dma_wait3A_372 = arith.constant 0 : i32
      %dma_wait3A_373 = arith.constant 0 : i32
      %dma_wait3A_374 = tpu.memref_slice %arg6[%dma_wait3A_372, %dma_wait3A_373] : memref<1000000x32xf32, #tpu.memory_space<hbm>> -> memref<1000000x32xf32, #tpu.memory_space<hbm>>
      tpu.wait_indirect_dma semaphore(%arg15 : memref<!tpu.dma_semaphore, #tpu.memory_space<semaphore_mem>>) src(%dma_wait3A_374 : memref<1000000x32xf32, #tpu.memory_space<hbm>>) dst(%dma_wait3A_369 : memref<128x32xf32, #tpu.memory_space<vmem>>)
      %dma_wait3A_375 = arith.constant 2048 : i32
      %dma_wait3A_376 = arith.constant 0 : i32
      %dma_wait3A_377 = tpu.memref_slice %arg13[%dma_wait3A_375, %dma_wait3A_376] : memref<2560x32xf32, #tpu.memory_space<vmem>> -> memref<128x32xf32, #tpu.memory_space<vmem>>
      %dma_wait3A_378 = arith.constant 2048 : i32
      %dma_wait3A_379 = tpu.memref_slice %arg10[%dma_wait3A_378] : memref<2560xi32, #tpu.memory_space<vmem>> -> memref<128xi32, #tpu.memory_space<vmem>>
      %dma_wait3A_380 = arith.constant 0 : i32
      %dma_wait3A_381 = arith.constant 0 : i32
      %dma_wait3A_382 = tpu.memref_slice %arg6[%dma_wait3A_380, %dma_wait3A_381] : memref<1000000x32xf32, #tpu.memory_space<hbm>> -> memref<1000000x32xf32, #tpu.memory_space<hbm>>
      tpu.wait_indirect_dma semaphore(%arg15 : memref<!tpu.dma_semaphore, #tpu.memory_space<semaphore_mem>>) src(%dma_wait3A_382 : memref<1000000x32xf32, #tpu.memory_space<hbm>>) dst(%dma_wait3A_377 : memref<128x32xf32, #tpu.memory_space<vmem>>)
      %dma_wait3A_383 = arith.constant 2176 : i32
      %dma_wait3A_384 = arith.constant 0 : i32
      %dma_wait3A_385 = tpu.memref_slice %arg13[%dma_wait3A_383, %dma_wait3A_384] : memref<2560x32xf32, #tpu.memory_space<vmem>> -> memref<128x32xf32, #tpu.memory_space<vmem>>
      %dma_wait3A_386 = arith.constant 2176 : i32
      %dma_wait3A_387 = tpu.memref_slice %arg10[%dma_wait3A_386] : memref<2560xi32, #tpu.memory_space<vmem>> -> memref<128xi32, #tpu.memory_space<vmem>>
      %dma_wait3A_388 = arith.constant 0 : i32
      %dma_wait3A_389 = arith.constant 0 : i32
      %dma_wait3A_390 = tpu.memref_slice %arg6[%dma_wait3A_388, %dma_wait3A_389] : memref<1000000x32xf32, #tpu.memory_space<hbm>> -> memref<1000000x32xf32, #tpu.memory_space<hbm>>
      tpu.wait_indirect_dma semaphore(%arg15 : memref<!tpu.dma_semaphore, #tpu.memory_space<semaphore_mem>>) src(%dma_wait3A_390 : memref<1000000x32xf32, #tpu.memory_space<hbm>>) dst(%dma_wait3A_385 : memref<128x32xf32, #tpu.memory_space<vmem>>)
      %dma_wait3A_391 = arith.constant 2304 : i32
      %dma_wait3A_392 = arith.constant 0 : i32
      %dma_wait3A_393 = tpu.memref_slice %arg13[%dma_wait3A_391, %dma_wait3A_392] : memref<2560x32xf32, #tpu.memory_space<vmem>> -> memref<128x32xf32, #tpu.memory_space<vmem>>
      %dma_wait3A_394 = arith.constant 2304 : i32
      %dma_wait3A_395 = tpu.memref_slice %arg10[%dma_wait3A_394] : memref<2560xi32, #tpu.memory_space<vmem>> -> memref<128xi32, #tpu.memory_space<vmem>>
      %dma_wait3A_396 = arith.constant 0 : i32
      %dma_wait3A_397 = arith.constant 0 : i32
      %dma_wait3A_398 = tpu.memref_slice %arg6[%dma_wait3A_396, %dma_wait3A_397] : memref<1000000x32xf32, #tpu.memory_space<hbm>> -> memref<1000000x32xf32, #tpu.memory_space<hbm>>
      tpu.wait_indirect_dma semaphore(%arg15 : memref<!tpu.dma_semaphore, #tpu.memory_space<semaphore_mem>>) src(%dma_wait3A_398 : memref<1000000x32xf32, #tpu.memory_space<hbm>>) dst(%dma_wait3A_393 : memref<128x32xf32, #tpu.memory_space<vmem>>)
      %dma_wait3A_399 = arith.constant 2432 : i32
      %dma_wait3A_400 = arith.constant 0 : i32
      %dma_wait3A_401 = tpu.memref_slice %arg13[%dma_wait3A_399, %dma_wait3A_400] : memref<2560x32xf32, #tpu.memory_space<vmem>> -> memref<128x32xf32, #tpu.memory_space<vmem>>
      %dma_wait3A_402 = arith.constant 2432 : i32
      %dma_wait3A_403 = tpu.memref_slice %arg10[%dma_wait3A_402] : memref<2560xi32, #tpu.memory_space<vmem>> -> memref<128xi32, #tpu.memory_space<vmem>>
      %dma_wait3A_404 = arith.constant 0 : i32
      %dma_wait3A_405 = arith.constant 0 : i32
      %dma_wait3A_406 = tpu.memref_slice %arg6[%dma_wait3A_404, %dma_wait3A_405] : memref<1000000x32xf32, #tpu.memory_space<hbm>> -> memref<1000000x32xf32, #tpu.memory_space<hbm>>
      tpu.wait_indirect_dma semaphore(%arg15 : memref<!tpu.dma_semaphore, #tpu.memory_space<semaphore_mem>>) src(%dma_wait3A_406 : memref<1000000x32xf32, #tpu.memory_space<hbm>>) dst(%dma_wait3A_401 : memref<128x32xf32, #tpu.memory_space<vmem>>)
      %scan3A_407 = arith.constant 0 : i32
      %scan3A_408 = arith.constant 0 : i32
      %scan3A_409 = arith.constant 8 : i32
      %scan3A_410 = arith.addi %scan3A_408, %scan3A_409 : i32
      %scan3A_411 = arith.constant 1 : i32
      scf.for %scan3A_418 = %scan3A_408 to %scan3A_410 step %scan3A_411  : i32 {
        %mul3A_419 = arith.constant 16 : i32
        %mul3A_420 = arith.muli %scan3A_418, %mul3A_419 : i32
        %add3A_421 = vector.broadcast %mul3A_420 : i32 to vector<16xi32>
        %add3A_422 = arith.addi %add3A_421, %iota3A : vector<16xi32>
        %gather3A = tpu.vector_load_idx %arg11[%add3A_422, %broadcast_in_dim3A_1] : memref<128x32xf32, #tpu.memory_space<vmem>>[vector<16xi32>, vector<16xi32>], vector<16xf32>,
        %gather3A_423 = tpu.vector_load_idx %arg11[%add3A_422, %broadcast_in_dim3A_3] : memref<128x32xf32, #tpu.memory_space<vmem>>[vector<16xi32>, vector<16xi32>], vector<16xf32>,
        %gather3A_424 = tpu.vector_load_idx %arg11[%add3A_422, %broadcast_in_dim3A_5] : memref<128x32xf32, #tpu.memory_space<vmem>>[vector<16xi32>, vector<16xi32>], vector<16xf32>,
        %gather3A_425 = tpu.vector_load_idx %arg11[%add3A_422, %broadcast_in_dim3A_7] : memref<128x32xf32, #tpu.memory_space<vmem>>[vector<16xi32>, vector<16xi32>], vector<16xf32>,
        %gather3A_426 = tpu.vector_load_idx %arg11[%add3A_422, %broadcast_in_dim3A_9] : memref<128x32xf32, #tpu.memory_space<vmem>>[vector<16xi32>, vector<16xi32>], vector<16xf32>,
        %gather3A_427 = tpu.vector_load_idx %arg11[%add3A_422, %broadcast_in_dim3A_11] : memref<128x32xf32, #tpu.memory_space<vmem>>[vector<16xi32>, vector<16xi32>], vector<16xf32>,
        %gather3A_428 = tpu.vector_load_idx %arg11[%add3A_422, %broadcast_in_dim3A_13] : memref<128x32xf32, #tpu.memory_space<vmem>>[vector<16xi32>, vector<16xi32>], vector<16xf32>,
        %gather3A_429 = tpu.vector_load_idx %arg11[%add3A_422, %broadcast_in_dim3A_15] : memref<128x32xf32, #tpu.memory_space<vmem>>[vector<16xi32>, vector<16xi32>], vector<16xf32>,
        %gather3A_430 = tpu.vector_load_idx %arg11[%add3A_422, %broadcast_in_dim3A_17] : memref<128x32xf32, #tpu.memory_space<vmem>>[vector<16xi32>, vector<16xi32>], vector<16xf32>,
        %gather3A_431 = tpu.vector_load_idx %arg11[%add3A_422, %broadcast_in_dim3A_19] : memref<128x32xf32, #tpu.memory_space<vmem>>[vector<16xi32>, vector<16xi32>], vector<16xf32>,
        %gather3A_432 = tpu.vector_load_idx %arg11[%add3A_422, %broadcast_in_dim3A_21] : memref<128x32xf32, #tpu.memory_space<vmem>>[vector<16xi32>, vector<16xi32>], vector<16xf32>,
        %gather3A_433 = tpu.vector_load_idx %arg11[%add3A_422, %broadcast_in_dim3A_23] : memref<128x32xf32, #tpu.memory_space<vmem>>[vector<16xi32>, vector<16xi32>], vector<16xf32>,
        %gather3A_434 = tpu.vector_load_idx %arg11[%add3A_422, %broadcast_in_dim3A_25] : memref<128x32xf32, #tpu.memory_space<vmem>>[vector<16xi32>, vector<16xi32>], vector<16xf32>,
        %gather3A_435 = tpu.vector_load_idx %arg11[%add3A_422, %broadcast_in_dim3A_27] : memref<128x32xf32, #tpu.memory_space<vmem>>[vector<16xi32>, vector<16xi32>], vector<16xf32>,
        %gather3A_436 = tpu.vector_load_idx %arg11[%add3A_422, %broadcast_in_dim3A_29] : memref<128x32xf32, #tpu.memory_space<vmem>>[vector<16xi32>, vector<16xi32>], vector<16xf32>,
        %gather3A_437 = tpu.vector_load_idx %arg11[%add3A_422, %broadcast_in_dim3A_31] : memref<128x32xf32, #tpu.memory_space<vmem>>[vector<16xi32>, vector<16xi32>], vector<16xf32>,
        %gather3A_438 = tpu.vector_load_idx %arg11[%add3A_422, %broadcast_in_dim3A_33] : memref<128x32xf32, #tpu.memory_space<vmem>>[vector<16xi32>, vector<16xi32>], vector<16xf32>,
        %gather3A_439 = tpu.vector_load_idx %arg11[%add3A_422, %broadcast_in_dim3A_35] : memref<128x32xf32, #tpu.memory_space<vmem>>[vector<16xi32>, vector<16xi32>], vector<16xf32>,
        %gather3A_440 = tpu.vector_load_idx %arg11[%add3A_422, %broadcast_in_dim3A_37] : memref<128x32xf32, #tpu.memory_space<vmem>>[vector<16xi32>, vector<16xi32>], vector<16xf32>,
        %gather3A_441 = tpu.vector_load_idx %arg11[%add3A_422, %broadcast_in_dim3A_39] : memref<128x32xf32, #tpu.memory_space<vmem>>[vector<16xi32>, vector<16xi32>], vector<16xf32>,
        %gather3A_442 = tpu.vector_load_idx %arg11[%add3A_422, %broadcast_in_dim3A_41] : memref<128x32xf32, #tpu.memory_space<vmem>>[vector<16xi32>, vector<16xi32>], vector<16xf32>,
        %gather3A_443 = tpu.vector_load_idx %arg11[%add3A_422, %broadcast_in_dim3A_43] : memref<128x32xf32, #tpu.memory_space<vmem>>[vector<16xi32>, vector<16xi32>], vector<16xf32>,
        %gather3A_444 = tpu.vector_load_idx %arg11[%add3A_422, %broadcast_in_dim3A_45] : memref<128x32xf32, #tpu.memory_space<vmem>>[vector<16xi32>, vector<16xi32>], vector<16xf32>,
        %gather3A_445 = tpu.vector_load_idx %arg11[%add3A_422, %broadcast_in_dim3A_47] : memref<128x32xf32, #tpu.memory_space<vmem>>[vector<16xi32>, vector<16xi32>], vector<16xf32>,
        %gather3A_446 = tpu.vector_load_idx %arg11[%add3A_422, %broadcast_in_dim3A_49] : memref<128x32xf32, #tpu.memory_space<vmem>>[vector<16xi32>, vector<16xi32>], vector<16xf32>,
        %gather3A_447 = tpu.vector_load_idx %arg11[%add3A_422, %broadcast_in_dim3A_51] : memref<128x32xf32, #tpu.memory_space<vmem>>[vector<16xi32>, vector<16xi32>], vector<16xf32>,
        %gather3A_448 = tpu.vector_load_idx %arg11[%add3A_422, %broadcast_in_dim3A_53] : memref<128x32xf32, #tpu.memory_space<vmem>>[vector<16xi32>, vector<16xi32>], vector<16xf32>,
        %gather3A_449 = tpu.vector_load_idx %arg11[%add3A_422, %broadcast_in_dim3A_55] : memref<128x32xf32, #tpu.memory_space<vmem>>[vector<16xi32>, vector<16xi32>], vector<16xf32>,
        %gather3A_450 = tpu.vector_load_idx %arg11[%add3A_422, %broadcast_in_dim3A_57] : memref<128x32xf32, #tpu.memory_space<vmem>>[vector<16xi32>, vector<16xi32>], vector<16xf32>,
        %gather3A_451 = tpu.vector_load_idx %arg11[%add3A_422, %broadcast_in_dim3A_59] : memref<128x32xf32, #tpu.memory_space<vmem>>[vector<16xi32>, vector<16xi32>], vector<16xf32>,
        %gather3A_452 = tpu.vector_load_idx %arg11[%add3A_422, %broadcast_in_dim3A_61] : memref<128x32xf32, #tpu.memory_space<vmem>>[vector<16xi32>, vector<16xi32>], vector<16xf32>,
        %gather3A_453 = tpu.vector_load_idx %arg11[%add3A_422, %broadcast_in_dim3A_63] : memref<128x32xf32, #tpu.memory_space<vmem>>[vector<16xi32>, vector<16xi32>], vector<16xf32>,
        %gather3A_454 = tpu.vector_load_idx %arg12[%add3A_422, %broadcast_in_dim3A_1] : memref<128x32xf32, #tpu.memory_space<vmem>>[vector<16xi32>, vector<16xi32>], vector<16xf32>,
        %mul3A_455 = arith.mulf %gather3A, %gather3A_454 : vector<16xf32>
        %gather3A_456 = tpu.vector_load_idx %arg12[%add3A_422, %broadcast_in_dim3A_3] : memref<128x32xf32, #tpu.memory_space<vmem>>[vector<16xi32>, vector<16xi32>], vector<16xf32>,
        %mul3A_457 = arith.mulf %gather3A_423, %gather3A_456 : vector<16xf32>
        %gather3A_458 = tpu.vector_load_idx %arg12[%add3A_422, %broadcast_in_dim3A_5] : memref<128x32xf32, #tpu.memory_space<vmem>>[vector<16xi32>, vector<16xi32>], vector<16xf32>,
        %mul3A_459 = arith.mulf %gather3A_424, %gather3A_458 : vector<16xf32>
        %gather3A_460 = tpu.vector_load_idx %arg12[%add3A_422, %broadcast_in_dim3A_7] : memref<128x32xf32, #tpu.memory_space<vmem>>[vector<16xi32>, vector<16xi32>], vector<16xf32>,
        %mul3A_461 = arith.mulf %gather3A_425, %gather3A_460 : vector<16xf32>
        %gather3A_462 = tpu.vector_load_idx %arg12[%add3A_422, %broadcast_in_dim3A_9] : memref<128x32xf32, #tpu.memory_space<vmem>>[vector<16xi32>, vector<16xi32>], vector<16xf32>,
        %mul3A_463 = arith.mulf %gather3A_426, %gather3A_462 : vector<16xf32>
        %gather3A_464 = tpu.vector_load_idx %arg12[%add3A_422, %broadcast_in_dim3A_11] : memref<128x32xf32, #tpu.memory_space<vmem>>[vector<16xi32>, vector<16xi32>], vector<16xf32>,
        %mul3A_465 = arith.mulf %gather3A_427, %gather3A_464 : vector<16xf32>
        %gather3A_466 = tpu.vector_load_idx %arg12[%add3A_422, %broadcast_in_dim3A_13] : memref<128x32xf32, #tpu.memory_space<vmem>>[vector<16xi32>, vector<16xi32>], vector<16xf32>,
        %mul3A_467 = arith.mulf %gather3A_428, %gather3A_466 : vector<16xf32>
        %gather3A_468 = tpu.vector_load_idx %arg12[%add3A_422, %broadcast_in_dim3A_15] : memref<128x32xf32, #tpu.memory_space<vmem>>[vector<16xi32>, vector<16xi32>], vector<16xf32>,
        %mul3A_469 = arith.mulf %gather3A_429, %gather3A_468 : vector<16xf32>
        %gather3A_470 = tpu.vector_load_idx %arg12[%add3A_422, %broadcast_in_dim3A_17] : memref<128x32xf32, #tpu.memory_space<vmem>>[vector<16xi32>, vector<16xi32>], vector<16xf32>,
        %mul3A_471 = arith.mulf %gather3A_430, %gather3A_470 : vector<16xf32>
        %gather3A_472 = tpu.vector_load_idx %arg12[%add3A_422, %broadcast_in_dim3A_19] : memref<128x32xf32, #tpu.memory_space<vmem>>[vector<16xi32>, vector<16xi32>], vector<16xf32>,
        %mul3A_473 = arith.mulf %gather3A_431, %gather3A_472 : vector<16xf32>
        %gather3A_474 = tpu.vector_load_idx %arg12[%add3A_422, %broadcast_in_dim3A_21] : memref<128x32xf32, #tpu.memory_space<vmem>>[vector<16xi32>, vector<16xi32>], vector<16xf32>,
        %mul3A_475 = arith.mulf %gather3A_432, %gather3A_474 : vector<16xf32>
        %gather3A_476 = tpu.vector_load_idx %arg12[%add3A_422, %broadcast_in_dim3A_23] : memref<128x32xf32, #tpu.memory_space<vmem>>[vector<16xi32>, vector<16xi32>], vector<16xf32>,
        %mul3A_477 = arith.mulf %gather3A_433, %gather3A_476 : vector<16xf32>
        %gather3A_478 = tpu.vector_load_idx %arg12[%add3A_422, %broadcast_in_dim3A_25] : memref<128x32xf32, #tpu.memory_space<vmem>>[vector<16xi32>, vector<16xi32>], vector<16xf32>,
        %mul3A_479 = arith.mulf %gather3A_434, %gather3A_478 : vector<16xf32>
        %gather3A_480 = tpu.vector_load_idx %arg12[%add3A_422, %broadcast_in_dim3A_27] : memref<128x32xf32, #tpu.memory_space<vmem>>[vector<16xi32>, vector<16xi32>], vector<16xf32>,
        %mul3A_481 = arith.mulf %gather3A_435, %gather3A_480 : vector<16xf32>
        %gather3A_482 = tpu.vector_load_idx %arg12[%add3A_422, %broadcast_in_dim3A_29] : memref<128x32xf32, #tpu.memory_space<vmem>>[vector<16xi32>, vector<16xi32>], vector<16xf32>,
        %mul3A_483 = arith.mulf %gather3A_436, %gather3A_482 : vector<16xf32>
        %gather3A_484 = tpu.vector_load_idx %arg12[%add3A_422, %broadcast_in_dim3A_31] : memref<128x32xf32, #tpu.memory_space<vmem>>[vector<16xi32>, vector<16xi32>], vector<16xf32>,
        %mul3A_485 = arith.mulf %gather3A_437, %gather3A_484 : vector<16xf32>
        %gather3A_486 = tpu.vector_load_idx %arg12[%add3A_422, %broadcast_in_dim3A_33] : memref<128x32xf32, #tpu.memory_space<vmem>>[vector<16xi32>, vector<16xi32>], vector<16xf32>,
        %mul3A_487 = arith.mulf %gather3A_438, %gather3A_486 : vector<16xf32>
        %gather3A_488 = tpu.vector_load_idx %arg12[%add3A_422, %broadcast_in_dim3A_35] : memref<128x32xf32, #tpu.memory_space<vmem>>[vector<16xi32>, vector<16xi32>], vector<16xf32>,
        %mul3A_489 = arith.mulf %gather3A_439, %gather3A_488 : vector<16xf32>
        %gather3A_490 = tpu.vector_load_idx %arg12[%add3A_422, %broadcast_in_dim3A_37] : memref<128x32xf32, #tpu.memory_space<vmem>>[vector<16xi32>, vector<16xi32>], vector<16xf32>,
        %mul3A_491 = arith.mulf %gather3A_440, %gather3A_490 : vector<16xf32>
        %gather3A_492 = tpu.vector_load_idx %arg12[%add3A_422, %broadcast_in_dim3A_39] : memref<128x32xf32, #tpu.memory_space<vmem>>[vector<16xi32>, vector<16xi32>], vector<16xf32>,
        %mul3A_493 = arith.mulf %gather3A_441, %gather3A_492 : vector<16xf32>
        %gather3A_494 = tpu.vector_load_idx %arg12[%add3A_422, %broadcast_in_dim3A_41] : memref<128x32xf32, #tpu.memory_space<vmem>>[vector<16xi32>, vector<16xi32>], vector<16xf32>,
        %mul3A_495 = arith.mulf %gather3A_442, %gather3A_494 : vector<16xf32>
        %gather3A_496 = tpu.vector_load_idx %arg12[%add3A_422, %broadcast_in_dim3A_43] : memref<128x32xf32, #tpu.memory_space<vmem>>[vector<16xi32>, vector<16xi32>], vector<16xf32>,
        %mul3A_497 = arith.mulf %gather3A_443, %gather3A_496 : vector<16xf32>
        %gather3A_498 = tpu.vector_load_idx %arg12[%add3A_422, %broadcast_in_dim3A_45] : memref<128x32xf32, #tpu.memory_space<vmem>>[vector<16xi32>, vector<16xi32>], vector<16xf32>,
        %mul3A_499 = arith.mulf %gather3A_444, %gather3A_498 : vector<16xf32>
        %gather3A_500 = tpu.vector_load_idx %arg12[%add3A_422, %broadcast_in_dim3A_47] : memref<128x32xf32, #tpu.memory_space<vmem>>[vector<16xi32>, vector<16xi32>], vector<16xf32>,
        %mul3A_501 = arith.mulf %gather3A_445, %gather3A_500 : vector<16xf32>
        %gather3A_502 = tpu.vector_load_idx %arg12[%add3A_422, %broadcast_in_dim3A_49] : memref<128x32xf32, #tpu.memory_space<vmem>>[vector<16xi32>, vector<16xi32>], vector<16xf32>,
        %mul3A_503 = arith.mulf %gather3A_446, %gather3A_502 : vector<16xf32>
        %gather3A_504 = tpu.vector_load_idx %arg12[%add3A_422, %broadcast_in_dim3A_51] : memref<128x32xf32, #tpu.memory_space<vmem>>[vector<16xi32>, vector<16xi32>], vector<16xf32>,
        %mul3A_505 = arith.mulf %gather3A_447, %gather3A_504 : vector<16xf32>
        %gather3A_506 = tpu.vector_load_idx %arg12[%add3A_422, %broadcast_in_dim3A_53] : memref<128x32xf32, #tpu.memory_space<vmem>>[vector<16xi32>, vector<16xi32>], vector<16xf32>,
        %mul3A_507 = arith.mulf %gather3A_448, %gather3A_506 : vector<16xf32>
        %gather3A_508 = tpu.vector_load_idx %arg12[%add3A_422, %broadcast_in_dim3A_55] : memref<128x32xf32, #tpu.memory_space<vmem>>[vector<16xi32>, vector<16xi32>], vector<16xf32>,
        %mul3A_509 = arith.mulf %gather3A_449, %gather3A_508 : vector<16xf32>
        %gather3A_510 = tpu.vector_load_idx %arg12[%add3A_422, %broadcast_in_dim3A_57] : memref<128x32xf32, #tpu.memory_space<vmem>>[vector<16xi32>, vector<16xi32>], vector<16xf32>,
        %mul3A_511 = arith.mulf %gather3A_450, %gather3A_510 : vector<16xf32>
        %gather3A_512 = tpu.vector_load_idx %arg12[%add3A_422, %broadcast_in_dim3A_59] : memref<128x32xf32, #tpu.memory_space<vmem>>[vector<16xi32>, vector<16xi32>], vector<16xf32>,
        %mul3A_513 = arith.mulf %gather3A_451, %gather3A_512 : vector<16xf32>
        %gather3A_514 = tpu.vector_load_idx %arg12[%add3A_422, %broadcast_in_dim3A_61] : memref<128x32xf32, #tpu.memory_space<vmem>>[vector<16xi32>, vector<16xi32>], vector<16xf32>,
        %mul3A_515 = arith.mulf %gather3A_452, %gather3A_514 : vector<16xf32>
        %gather3A_516 = tpu.vector_load_idx %arg12[%add3A_422, %broadcast_in_dim3A_63] : memref<128x32xf32, #tpu.memory_space<vmem>>[vector<16xi32>, vector<16xi32>], vector<16xf32>,
        %mul3A_517 = arith.mulf %gather3A_453, %gather3A_516 : vector<16xf32>
        %add3A_518 = arith.addf %mul3A_455, %mul3A_457 : vector<16xf32>
        %add3A_519 = arith.addf %mul3A_459, %mul3A_461 : vector<16xf32>
        %add3A_520 = arith.addf %mul3A_463, %mul3A_465 : vector<16xf32>
        %add3A_521 = arith.addf %mul3A_467, %mul3A_469 : vector<16xf32>
        %add3A_522 = arith.addf %mul3A_471, %mul3A_473 : vector<16xf32>
        %add3A_523 = arith.addf %mul3A_475, %mul3A_477 : vector<16xf32>
        %add3A_524 = arith.addf %mul3A_479, %mul3A_481 : vector<16xf32>
        %add3A_525 = arith.addf %mul3A_483, %mul3A_485 : vector<16xf32>
        %add3A_526 = arith.addf %mul3A_487, %mul3A_489 : vector<16xf32>
        %add3A_527 = arith.addf %mul3A_491, %mul3A_493 : vector<16xf32>
        %add3A_528 = arith.addf %mul3A_495, %mul3A_497 : vector<16xf32>
        %add3A_529 = arith.addf %mul3A_499, %mul3A_501 : vector<16xf32>
        %add3A_530 = arith.addf %mul3A_503, %mul3A_505 : vector<16xf32>
        %add3A_531 = arith.addf %mul3A_507, %mul3A_509 : vector<16xf32>
        %add3A_532 = arith.addf %mul3A_511, %mul3A_513 : vector<16xf32>
        %add3A_533 = arith.addf %mul3A_515, %mul3A_517 : vector<16xf32>
        %add3A_534 = arith.addf %add3A_518, %add3A_519 : vector<16xf32>
        %add3A_535 = arith.addf %add3A_520, %add3A_521 : vector<16xf32>
        %add3A_536 = arith.addf %add3A_522, %add3A_523 : vector<16xf32>
        %add3A_537 = arith.addf %add3A_524, %add3A_525 : vector<16xf32>
        %add3A_538 = arith.addf %add3A_526, %add3A_527 : vector<16xf32>
        %add3A_539 = arith.addf %add3A_528, %add3A_529 : vector<16xf32>
        %add3A_540 = arith.addf %add3A_530, %add3A_531 : vector<16xf32>
        %add3A_541 = arith.addf %add3A_532, %add3A_533 : vector<16xf32>
        %add3A_542 = arith.addf %add3A_534, %add3A_535 : vector<16xf32>
        %add3A_543 = arith.addf %add3A_536, %add3A_537 : vector<16xf32>
        %add3A_544 = arith.addf %add3A_538, %add3A_539 : vector<16xf32>
        %add3A_545 = arith.addf %add3A_540, %add3A_541 : vector<16xf32>
        %add3A_546 = arith.addf %add3A_542, %add3A_543 : vector<16xf32>
        %add3A_547 = arith.addf %add3A_544, %add3A_545 : vector<16xf32>
        %add3A_548 = arith.addf %add3A_546, %add3A_547 : vector<16xf32>
        %mul3A_549 = arith.constant 16 : i32
        %mul3A_550 = arith.muli %scan3A_418, %mul3A_549 : i32
        %swap3A = arith.index_cast %mul3A_550 : i32 to index
        %swap3A_551 = tpu.vector_load %arg14[%swap3A] {strides = array<i32>} : memref<2688xf32, #tpu.memory_space<vmem>>, vector<16xf32>,
        tpu.vector_store %arg14[%swap3A], %add3A_548 {strides = array<i32>} : memref<2688xf32, #tpu.memory_space<vmem>>, vector<16xf32>,
        %mul3A_552 = arith.constant 20 : i32
        %mul3A_553 = vector.broadcast %mul3A_552 : i32 to vector<16xi32>
        %mul3A_554 = arith.muli %add3A_422, %mul3A_553 : vector<16xi32>
        %scan3A_555 = arith.constant 0 : i32
        %scan3A_556 = arith.constant 0 : i32
        %scan3A_557 = arith.constant 5 : i32
        %scan3A_558 = arith.addi %scan3A_556, %scan3A_557 : i32
        %scan3A_559 = arith.constant 1 : i32
        scf.for %scan3A_561 = %scan3A_556 to %scan3A_558 step %scan3A_559  : i32 {
          %mul3A_562 = arith.constant 4 : i32
          %mul3A_563 = arith.muli %scan3A_561, %mul3A_562 : i32
          %add3A_564 = arith.constant 0 : i32
          %add3A_565 = arith.addi %mul3A_563, %add3A_564 : i32
          %add3A_566 = vector.broadcast %add3A_565 : i32 to vector<16xi32>
          %add3A_567 = arith.addi %mul3A_554, %add3A_566 : vector<16xi32>
          %gather3A_568 = tpu.vector_load_idx %arg13[%add3A_567, %broadcast_in_dim3A_1] : memref<2560x32xf32, #tpu.memory_space<vmem>>[vector<16xi32>, vector<16xi32>], vector<16xf32>,
          %mul3A_569 = arith.mulf %gather3A, %gather3A_568 : vector<16xf32>
          %gather3A_570 = tpu.vector_load_idx %arg13[%add3A_567, %broadcast_in_dim3A_3] : memref<2560x32xf32, #tpu.memory_space<vmem>>[vector<16xi32>, vector<16xi32>], vector<16xf32>,
          %mul3A_571 = arith.mulf %gather3A_423, %gather3A_570 : vector<16xf32>
          %gather3A_572 = tpu.vector_load_idx %arg13[%add3A_567, %broadcast_in_dim3A_5] : memref<2560x32xf32, #tpu.memory_space<vmem>>[vector<16xi32>, vector<16xi32>], vector<16xf32>,
          %mul3A_573 = arith.mulf %gather3A_424, %gather3A_572 : vector<16xf32>
          %gather3A_574 = tpu.vector_load_idx %arg13[%add3A_567, %broadcast_in_dim3A_7] : memref<2560x32xf32, #tpu.memory_space<vmem>>[vector<16xi32>, vector<16xi32>], vector<16xf32>,
          %mul3A_575 = arith.mulf %gather3A_425, %gather3A_574 : vector<16xf32>
          %gather3A_576 = tpu.vector_load_idx %arg13[%add3A_567, %broadcast_in_dim3A_9] : memref<2560x32xf32, #tpu.memory_space<vmem>>[vector<16xi32>, vector<16xi32>], vector<16xf32>,
          %mul3A_577 = arith.mulf %gather3A_426, %gather3A_576 : vector<16xf32>
          %gather3A_578 = tpu.vector_load_idx %arg13[%add3A_567, %broadcast_in_dim3A_11] : memref<2560x32xf32, #tpu.memory_space<vmem>>[vector<16xi32>, vector<16xi32>], vector<16xf32>,
          %mul3A_579 = arith.mulf %gather3A_427, %gather3A_578 : vector<16xf32>
          %gather3A_580 = tpu.vector_load_idx %arg13[%add3A_567, %broadcast_in_dim3A_13] : memref<2560x32xf32, #tpu.memory_space<vmem>>[vector<16xi32>, vector<16xi32>], vector<16xf32>,
          %mul3A_581 = arith.mulf %gather3A_428, %gather3A_580 : vector<16xf32>
          %gather3A_582 = tpu.vector_load_idx %arg13[%add3A_567, %broadcast_in_dim3A_15] : memref<2560x32xf32, #tpu.memory_space<vmem>>[vector<16xi32>, vector<16xi32>], vector<16xf32>,
          %mul3A_583 = arith.mulf %gather3A_429, %gather3A_582 : vector<16xf32>
          %gather3A_584 = tpu.vector_load_idx %arg13[%add3A_567, %broadcast_in_dim3A_17] : memref<2560x32xf32, #tpu.memory_space<vmem>>[vector<16xi32>, vector<16xi32>], vector<16xf32>,
          %mul3A_585 = arith.mulf %gather3A_430, %gather3A_584 : vector<16xf32>
          %gather3A_586 = tpu.vector_load_idx %arg13[%add3A_567, %broadcast_in_dim3A_19] : memref<2560x32xf32, #tpu.memory_space<vmem>>[vector<16xi32>, vector<16xi32>], vector<16xf32>,
          %mul3A_587 = arith.mulf %gather3A_431, %gather3A_586 : vector<16xf32>
          %gather3A_588 = tpu.vector_load_idx %arg13[%add3A_567, %broadcast_in_dim3A_21] : memref<2560x32xf32, #tpu.memory_space<vmem>>[vector<16xi32>, vector<16xi32>], vector<16xf32>,
          %mul3A_589 = arith.mulf %gather3A_432, %gather3A_588 : vector<16xf32>
          %gather3A_590 = tpu.vector_load_idx %arg13[%add3A_567, %broadcast_in_dim3A_23] : memref<2560x32xf32, #tpu.memory_space<vmem>>[vector<16xi32>, vector<16xi32>], vector<16xf32>,
          %mul3A_591 = arith.mulf %gather3A_433, %gather3A_590 : vector<16xf32>
          %gather3A_592 = tpu.vector_load_idx %arg13[%add3A_567, %broadcast_in_dim3A_25] : memref<2560x32xf32, #tpu.memory_space<vmem>>[vector<16xi32>, vector<16xi32>], vector<16xf32>,
          %mul3A_593 = arith.mulf %gather3A_434, %gather3A_592 : vector<16xf32>
          %gather3A_594 = tpu.vector_load_idx %arg13[%add3A_567, %broadcast_in_dim3A_27] : memref<2560x32xf32, #tpu.memory_space<vmem>>[vector<16xi32>, vector<16xi32>], vector<16xf32>,
          %mul3A_595 = arith.mulf %gather3A_435, %gather3A_594 : vector<16xf32>
          %gather3A_596 = tpu.vector_load_idx %arg13[%add3A_567, %broadcast_in_dim3A_29] : memref<2560x32xf32, #tpu.memory_space<vmem>>[vector<16xi32>, vector<16xi32>], vector<16xf32>,
          %mul3A_597 = arith.mulf %gather3A_436, %gather3A_596 : vector<16xf32>
          %gather3A_598 = tpu.vector_load_idx %arg13[%add3A_567, %broadcast_in_dim3A_31] : memref<2560x32xf32, #tpu.memory_space<vmem>>[vector<16xi32>, vector<16xi32>], vector<16xf32>,
          %mul3A_599 = arith.mulf %gather3A_437, %gather3A_598 : vector<16xf32>
          %gather3A_600 = tpu.vector_load_idx %arg13[%add3A_567, %broadcast_in_dim3A_33] : memref<2560x32xf32, #tpu.memory_space<vmem>>[vector<16xi32>, vector<16xi32>], vector<16xf32>,
          %mul3A_601 = arith.mulf %gather3A_438, %gather3A_600 : vector<16xf32>
          %gather3A_602 = tpu.vector_load_idx %arg13[%add3A_567, %broadcast_in_dim3A_35] : memref<2560x32xf32, #tpu.memory_space<vmem>>[vector<16xi32>, vector<16xi32>], vector<16xf32>,
          %mul3A_603 = arith.mulf %gather3A_439, %gather3A_602 : vector<16xf32>
          %gather3A_604 = tpu.vector_load_idx %arg13[%add3A_567, %broadcast_in_dim3A_37] : memref<2560x32xf32, #tpu.memory_space<vmem>>[vector<16xi32>, vector<16xi32>], vector<16xf32>,
          %mul3A_605 = arith.mulf %gather3A_440, %gather3A_604 : vector<16xf32>
          %gather3A_606 = tpu.vector_load_idx %arg13[%add3A_567, %broadcast_in_dim3A_39] : memref<2560x32xf32, #tpu.memory_space<vmem>>[vector<16xi32>, vector<16xi32>], vector<16xf32>,
          %mul3A_607 = arith.mulf %gather3A_441, %gather3A_606 : vector<16xf32>
          %gather3A_608 = tpu.vector_load_idx %arg13[%add3A_567, %broadcast_in_dim3A_41] : memref<2560x32xf32, #tpu.memory_space<vmem>>[vector<16xi32>, vector<16xi32>], vector<16xf32>,
          %mul3A_609 = arith.mulf %gather3A_442, %gather3A_608 : vector<16xf32>
          %gather3A_610 = tpu.vector_load_idx %arg13[%add3A_567, %broadcast_in_dim3A_43] : memref<2560x32xf32, #tpu.memory_space<vmem>>[vector<16xi32>, vector<16xi32>], vector<16xf32>,
          %mul3A_611 = arith.mulf %gather3A_443, %gather3A_610 : vector<16xf32>
          %gather3A_612 = tpu.vector_load_idx %arg13[%add3A_567, %broadcast_in_dim3A_45] : memref<2560x32xf32, #tpu.memory_space<vmem>>[vector<16xi32>, vector<16xi32>], vector<16xf32>,
          %mul3A_613 = arith.mulf %gather3A_444, %gather3A_612 : vector<16xf32>
          %gather3A_614 = tpu.vector_load_idx %arg13[%add3A_567, %broadcast_in_dim3A_47] : memref<2560x32xf32, #tpu.memory_space<vmem>>[vector<16xi32>, vector<16xi32>], vector<16xf32>,
          %mul3A_615 = arith.mulf %gather3A_445, %gather3A_614 : vector<16xf32>
          %gather3A_616 = tpu.vector_load_idx %arg13[%add3A_567, %broadcast_in_dim3A_49] : memref<2560x32xf32, #tpu.memory_space<vmem>>[vector<16xi32>, vector<16xi32>], vector<16xf32>,
          %mul3A_617 = arith.mulf %gather3A_446, %gather3A_616 : vector<16xf32>
          %gather3A_618 = tpu.vector_load_idx %arg13[%add3A_567, %broadcast_in_dim3A_51] : memref<2560x32xf32, #tpu.memory_space<vmem>>[vector<16xi32>, vector<16xi32>], vector<16xf32>,
          %mul3A_619 = arith.mulf %gather3A_447, %gather3A_618 : vector<16xf32>
          %gather3A_620 = tpu.vector_load_idx %arg13[%add3A_567, %broadcast_in_dim3A_53] : memref<2560x32xf32, #tpu.memory_space<vmem>>[vector<16xi32>, vector<16xi32>], vector<16xf32>,
          %mul3A_621 = arith.mulf %gather3A_448, %gather3A_620 : vector<16xf32>
          %gather3A_622 = tpu.vector_load_idx %arg13[%add3A_567, %broadcast_in_dim3A_55] : memref<2560x32xf32, #tpu.memory_space<vmem>>[vector<16xi32>, vector<16xi32>], vector<16xf32>,
          %mul3A_623 = arith.mulf %gather3A_449, %gather3A_622 : vector<16xf32>
          %gather3A_624 = tpu.vector_load_idx %arg13[%add3A_567, %broadcast_in_dim3A_57] : memref<2560x32xf32, #tpu.memory_space<vmem>>[vector<16xi32>, vector<16xi32>], vector<16xf32>,
          %mul3A_625 = arith.mulf %gather3A_450, %gather3A_624 : vector<16xf32>
          %gather3A_626 = tpu.vector_load_idx %arg13[%add3A_567, %broadcast_in_dim3A_59] : memref<2560x32xf32, #tpu.memory_space<vmem>>[vector<16xi32>, vector<16xi32>], vector<16xf32>,
          %mul3A_627 = arith.mulf %gather3A_451, %gather3A_626 : vector<16xf32>
          %gather3A_628 = tpu.vector_load_idx %arg13[%add3A_567, %broadcast_in_dim3A_61] : memref<2560x32xf32, #tpu.memory_space<vmem>>[vector<16xi32>, vector<16xi32>], vector<16xf32>,
          %mul3A_629 = arith.mulf %gather3A_452, %gather3A_628 : vector<16xf32>
          %gather3A_630 = tpu.vector_load_idx %arg13[%add3A_567, %broadcast_in_dim3A_63] : memref<2560x32xf32, #tpu.memory_space<vmem>>[vector<16xi32>, vector<16xi32>], vector<16xf32>,
          %mul3A_631 = arith.mulf %gather3A_453, %gather3A_630 : vector<16xf32>
          %add3A_632 = arith.addf %mul3A_569, %mul3A_571 : vector<16xf32>
          %add3A_633 = arith.addf %mul3A_573, %mul3A_575 : vector<16xf32>
          %add3A_634 = arith.addf %mul3A_577, %mul3A_579 : vector<16xf32>
          %add3A_635 = arith.addf %mul3A_581, %mul3A_583 : vector<16xf32>
          %add3A_636 = arith.addf %mul3A_585, %mul3A_587 : vector<16xf32>
          %add3A_637 = arith.addf %mul3A_589, %mul3A_591 : vector<16xf32>
          %add3A_638 = arith.addf %mul3A_593, %mul3A_595 : vector<16xf32>
          %add3A_639 = arith.addf %mul3A_597, %mul3A_599 : vector<16xf32>
          %add3A_640 = arith.addf %mul3A_601, %mul3A_603 : vector<16xf32>
          %add3A_641 = arith.addf %mul3A_605, %mul3A_607 : vector<16xf32>
          %add3A_642 = arith.addf %mul3A_609, %mul3A_611 : vector<16xf32>
          %add3A_643 = arith.addf %mul3A_613, %mul3A_615 : vector<16xf32>
          %add3A_644 = arith.addf %mul3A_617, %mul3A_619 : vector<16xf32>
          %add3A_645 = arith.addf %mul3A_621, %mul3A_623 : vector<16xf32>
          %add3A_646 = arith.addf %mul3A_625, %mul3A_627 : vector<16xf32>
          %add3A_647 = arith.addf %mul3A_629, %mul3A_631 : vector<16xf32>
          %add3A_648 = arith.addf %add3A_632, %add3A_633 : vector<16xf32>
          %add3A_649 = arith.addf %add3A_634, %add3A_635 : vector<16xf32>
          %add3A_650 = arith.addf %add3A_636, %add3A_637 : vector<16xf32>
          %add3A_651 = arith.addf %add3A_638, %add3A_639 : vector<16xf32>
          %add3A_652 = arith.addf %add3A_640, %add3A_641 : vector<16xf32>
          %add3A_653 = arith.addf %add3A_642, %add3A_643 : vector<16xf32>
          %add3A_654 = arith.addf %add3A_644, %add3A_645 : vector<16xf32>
          %add3A_655 = arith.addf %add3A_646, %add3A_647 : vector<16xf32>
          %add3A_656 = arith.addf %add3A_648, %add3A_649 : vector<16xf32>
          %add3A_657 = arith.addf %add3A_650, %add3A_651 : vector<16xf32>
          %add3A_658 = arith.addf %add3A_652, %add3A_653 : vector<16xf32>
          %add3A_659 = arith.addf %add3A_654, %add3A_655 : vector<16xf32>
          %add3A_660 = arith.addf %add3A_656, %add3A_657 : vector<16xf32>
          %add3A_661 = arith.addf %add3A_658, %add3A_659 : vector<16xf32>
          %add3A_662 = arith.addf %add3A_660, %add3A_661 : vector<16xf32>
          %neg3A = arith.constant 0.000000e+00 : f32
          %neg3A_663 = vector.broadcast %neg3A : f32 to vector<16xf32>
          %neg3A_664 = arith.subf %neg3A_663, %add3A_662 : vector<16xf32>
          %add3A_665 = arith.constant 0 : i32
          %add3A_666 = arith.addi %mul3A_563, %add3A_665 : i32
          %mul3A_667 = arith.constant 128 : i32
          %mul3A_668 = arith.muli %add3A_666, %mul3A_667 : i32
          %add3A_669 = arith.constant 128 : i32
          %add3A_670 = arith.addi %add3A_669, %mul3A_668 : i32
          %mul3A_671 = arith.constant 16 : i32
          %mul3A_672 = arith.muli %scan3A_418, %mul3A_671 : i32
          %add3A_673 = arith.addi %add3A_670, %mul3A_672 : i32
          %swap3A_674 = arith.index_cast %add3A_673 : i32 to index
          %swap3A_675 = tpu.vector_load %arg14[%swap3A_674] {strides = array<i32>} : memref<2688xf32, #tpu.memory_space<vmem>>, vector<16xf32>,
          tpu.vector_store %arg14[%swap3A_674], %neg3A_664 {strides = array<i32>} : memref<2688xf32, #tpu.memory_space<vmem>>, vector<16xf32>,
          %add3A_676 = arith.constant 1 : i32
          %add3A_677 = arith.addi %mul3A_563, %add3A_676 : i32
          %add3A_678 = vector.broadcast %add3A_677 : i32 to vector<16xi32>
          %add3A_679 = arith.addi %mul3A_554, %add3A_678 : vector<16xi32>
          %gather3A_680 = tpu.vector_load_idx %arg13[%add3A_679, %broadcast_in_dim3A_1] : memref<2560x32xf32, #tpu.memory_space<vmem>>[vector<16xi32>, vector<16xi32>], vector<16xf32>,
          %mul3A_681 = arith.mulf %gather3A, %gather3A_680 : vector<16xf32>
          %gather3A_682 = tpu.vector_load_idx %arg13[%add3A_679, %broadcast_in_dim3A_3] : memref<2560x32xf32, #tpu.memory_space<vmem>>[vector<16xi32>, vector<16xi32>], vector<16xf32>,
          %mul3A_683 = arith.mulf %gather3A_423, %gather3A_682 : vector<16xf32>
          %gather3A_684 = tpu.vector_load_idx %arg13[%add3A_679, %broadcast_in_dim3A_5] : memref<2560x32xf32, #tpu.memory_space<vmem>>[vector<16xi32>, vector<16xi32>], vector<16xf32>,
          %mul3A_685 = arith.mulf %gather3A_424, %gather3A_684 : vector<16xf32>
          %gather3A_686 = tpu.vector_load_idx %arg13[%add3A_679, %broadcast_in_dim3A_7] : memref<2560x32xf32, #tpu.memory_space<vmem>>[vector<16xi32>, vector<16xi32>], vector<16xf32>,
          %mul3A_687 = arith.mulf %gather3A_425, %gather3A_686 : vector<16xf32>
          %gather3A_688 = tpu.vector_load_idx %arg13[%add3A_679, %broadcast_in_dim3A_9] : memref<2560x32xf32, #tpu.memory_space<vmem>>[vector<16xi32>, vector<16xi32>], vector<16xf32>,
          %mul3A_689 = arith.mulf %gather3A_426, %gather3A_688 : vector<16xf32>
          %gather3A_690 = tpu.vector_load_idx %arg13[%add3A_679, %broadcast_in_dim3A_11] : memref<2560x32xf32, #tpu.memory_space<vmem>>[vector<16xi32>, vector<16xi32>], vector<16xf32>,
          %mul3A_691 = arith.mulf %gather3A_427, %gather3A_690 : vector<16xf32>
          %gather3A_692 = tpu.vector_load_idx %arg13[%add3A_679, %broadcast_in_dim3A_13] : memref<2560x32xf32, #tpu.memory_space<vmem>>[vector<16xi32>, vector<16xi32>], vector<16xf32>,
          %mul3A_693 = arith.mulf %gather3A_428, %gather3A_692 : vector<16xf32>
          %gather3A_694 = tpu.vector_load_idx %arg13[%add3A_679, %broadcast_in_dim3A_15] : memref<2560x32xf32, #tpu.memory_space<vmem>>[vector<16xi32>, vector<16xi32>], vector<16xf32>,
          %mul3A_695 = arith.mulf %gather3A_429, %gather3A_694 : vector<16xf32>
          %gather3A_696 = tpu.vector_load_idx %arg13[%add3A_679, %broadcast_in_dim3A_17] : memref<2560x32xf32, #tpu.memory_space<vmem>>[vector<16xi32>, vector<16xi32>], vector<16xf32>,
          %mul3A_697 = arith.mulf %gather3A_430, %gather3A_696 : vector<16xf32>
          %gather3A_698 = tpu.vector_load_idx %arg13[%add3A_679, %broadcast_in_dim3A_19] : memref<2560x32xf32, #tpu.memory_space<vmem>>[vector<16xi32>, vector<16xi32>], vector<16xf32>,
          %mul3A_699 = arith.mulf %gather3A_431, %gather3A_698 : vector<16xf32>
          %gather3A_700 = tpu.vector_load_idx %arg13[%add3A_679, %broadcast_in_dim3A_21] : memref<2560x32xf32, #tpu.memory_space<vmem>>[vector<16xi32>, vector<16xi32>], vector<16xf32>,
          %mul3A_701 = arith.mulf %gather3A_432, %gather3A_700 : vector<16xf32>
          %gather3A_702 = tpu.vector_load_idx %arg13[%add3A_679, %broadcast_in_dim3A_23] : memref<2560x32xf32, #tpu.memory_space<vmem>>[vector<16xi32>, vector<16xi32>], vector<16xf32>,
          %mul3A_703 = arith.mulf %gather3A_433, %gather3A_702 : vector<16xf32>
          %gather3A_704 = tpu.vector_load_idx %arg13[%add3A_679, %broadcast_in_dim3A_25] : memref<2560x32xf32, #tpu.memory_space<vmem>>[vector<16xi32>, vector<16xi32>], vector<16xf32>,
          %mul3A_705 = arith.mulf %gather3A_434, %gather3A_704 : vector<16xf32>
          %gather3A_706 = tpu.vector_load_idx %arg13[%add3A_679, %broadcast_in_dim3A_27] : memref<2560x32xf32, #tpu.memory_space<vmem>>[vector<16xi32>, vector<16xi32>], vector<16xf32>,
          %mul3A_707 = arith.mulf %gather3A_435, %gather3A_706 : vector<16xf32>
          %gather3A_708 = tpu.vector_load_idx %arg13[%add3A_679, %broadcast_in_dim3A_29] : memref<2560x32xf32, #tpu.memory_space<vmem>>[vector<16xi32>, vector<16xi32>], vector<16xf32>,
          %mul3A_709 = arith.mulf %gather3A_436, %gather3A_708 : vector<16xf32>
          %gather3A_710 = tpu.vector_load_idx %arg13[%add3A_679, %broadcast_in_dim3A_31] : memref<2560x32xf32, #tpu.memory_space<vmem>>[vector<16xi32>, vector<16xi32>], vector<16xf32>,
          %mul3A_711 = arith.mulf %gather3A_437, %gather3A_710 : vector<16xf32>
          %gather3A_712 = tpu.vector_load_idx %arg13[%add3A_679, %broadcast_in_dim3A_33] : memref<2560x32xf32, #tpu.memory_space<vmem>>[vector<16xi32>, vector<16xi32>], vector<16xf32>,
          %mul3A_713 = arith.mulf %gather3A_438, %gather3A_712 : vector<16xf32>
          %gather3A_714 = tpu.vector_load_idx %arg13[%add3A_679, %broadcast_in_dim3A_35] : memref<2560x32xf32, #tpu.memory_space<vmem>>[vector<16xi32>, vector<16xi32>], vector<16xf32>,
          %mul3A_715 = arith.mulf %gather3A_439, %gather3A_714 : vector<16xf32>
          %gather3A_716 = tpu.vector_load_idx %arg13[%add3A_679, %broadcast_in_dim3A_37] : memref<2560x32xf32, #tpu.memory_space<vmem>>[vector<16xi32>, vector<16xi32>], vector<16xf32>,
          %mul3A_717 = arith.mulf %gather3A_440, %gather3A_716 : vector<16xf32>
          %gather3A_718 = tpu.vector_load_idx %arg13[%add3A_679, %broadcast_in_dim3A_39] : memref<2560x32xf32, #tpu.memory_space<vmem>>[vector<16xi32>, vector<16xi32>], vector<16xf32>,
          %mul3A_719 = arith.mulf %gather3A_441, %gather3A_718 : vector<16xf32>
          %gather3A_720 = tpu.vector_load_idx %arg13[%add3A_679, %broadcast_in_dim3A_41] : memref<2560x32xf32, #tpu.memory_space<vmem>>[vector<16xi32>, vector<16xi32>], vector<16xf32>,
          %mul3A_721 = arith.mulf %gather3A_442, %gather3A_720 : vector<16xf32>
          %gather3A_722 = tpu.vector_load_idx %arg13[%add3A_679, %broadcast_in_dim3A_43] : memref<2560x32xf32, #tpu.memory_space<vmem>>[vector<16xi32>, vector<16xi32>], vector<16xf32>,
          %mul3A_723 = arith.mulf %gather3A_443, %gather3A_722 : vector<16xf32>
          %gather3A_724 = tpu.vector_load_idx %arg13[%add3A_679, %broadcast_in_dim3A_45] : memref<2560x32xf32, #tpu.memory_space<vmem>>[vector<16xi32>, vector<16xi32>], vector<16xf32>,
          %mul3A_725 = arith.mulf %gather3A_444, %gather3A_724 : vector<16xf32>
          %gather3A_726 = tpu.vector_load_idx %arg13[%add3A_679, %broadcast_in_dim3A_47] : memref<2560x32xf32, #tpu.memory_space<vmem>>[vector<16xi32>, vector<16xi32>], vector<16xf32>,
          %mul3A_727 = arith.mulf %gather3A_445, %gather3A_726 : vector<16xf32>
          %gather3A_728 = tpu.vector_load_idx %arg13[%add3A_679, %broadcast_in_dim3A_49] : memref<2560x32xf32, #tpu.memory_space<vmem>>[vector<16xi32>, vector<16xi32>], vector<16xf32>,
          %mul3A_729 = arith.mulf %gather3A_446, %gather3A_728 : vector<16xf32>
          %gather3A_730 = tpu.vector_load_idx %arg13[%add3A_679, %broadcast_in_dim3A_51] : memref<2560x32xf32, #tpu.memory_space<vmem>>[vector<16xi32>, vector<16xi32>], vector<16xf32>,
          %mul3A_731 = arith.mulf %gather3A_447, %gather3A_730 : vector<16xf32>
          %gather3A_732 = tpu.vector_load_idx %arg13[%add3A_679, %broadcast_in_dim3A_53] : memref<2560x32xf32, #tpu.memory_space<vmem>>[vector<16xi32>, vector<16xi32>], vector<16xf32>,
          %mul3A_733 = arith.mulf %gather3A_448, %gather3A_732 : vector<16xf32>
          %gather3A_734 = tpu.vector_load_idx %arg13[%add3A_679, %broadcast_in_dim3A_55] : memref<2560x32xf32, #tpu.memory_space<vmem>>[vector<16xi32>, vector<16xi32>], vector<16xf32>,
          %mul3A_735 = arith.mulf %gather3A_449, %gather3A_734 : vector<16xf32>
          %gather3A_736 = tpu.vector_load_idx %arg13[%add3A_679, %broadcast_in_dim3A_57] : memref<2560x32xf32, #tpu.memory_space<vmem>>[vector<16xi32>, vector<16xi32>], vector<16xf32>,
          %mul3A_737 = arith.mulf %gather3A_450, %gather3A_736 : vector<16xf32>
          %gather3A_738 = tpu.vector_load_idx %arg13[%add3A_679, %broadcast_in_dim3A_59] : memref<2560x32xf32, #tpu.memory_space<vmem>>[vector<16xi32>, vector<16xi32>], vector<16xf32>,
          %mul3A_739 = arith.mulf %gather3A_451, %gather3A_738 : vector<16xf32>
          %gather3A_740 = tpu.vector_load_idx %arg13[%add3A_679, %broadcast_in_dim3A_61] : memref<2560x32xf32, #tpu.memory_space<vmem>>[vector<16xi32>, vector<16xi32>], vector<16xf32>,
          %mul3A_741 = arith.mulf %gather3A_452, %gather3A_740 : vector<16xf32>
          %gather3A_742 = tpu.vector_load_idx %arg13[%add3A_679, %broadcast_in_dim3A_63] : memref<2560x32xf32, #tpu.memory_space<vmem>>[vector<16xi32>, vector<16xi32>], vector<16xf32>,
          %mul3A_743 = arith.mulf %gather3A_453, %gather3A_742 : vector<16xf32>
          %add3A_744 = arith.addf %mul3A_681, %mul3A_683 : vector<16xf32>
          %add3A_745 = arith.addf %mul3A_685, %mul3A_687 : vector<16xf32>
          %add3A_746 = arith.addf %mul3A_689, %mul3A_691 : vector<16xf32>
          %add3A_747 = arith.addf %mul3A_693, %mul3A_695 : vector<16xf32>
          %add3A_748 = arith.addf %mul3A_697, %mul3A_699 : vector<16xf32>
          %add3A_749 = arith.addf %mul3A_701, %mul3A_703 : vector<16xf32>
          %add3A_750 = arith.addf %mul3A_705, %mul3A_707 : vector<16xf32>
          %add3A_751 = arith.addf %mul3A_709, %mul3A_711 : vector<16xf32>
          %add3A_752 = arith.addf %mul3A_713, %mul3A_715 : vector<16xf32>
          %add3A_753 = arith.addf %mul3A_717, %mul3A_719 : vector<16xf32>
          %add3A_754 = arith.addf %mul3A_721, %mul3A_723 : vector<16xf32>
          %add3A_755 = arith.addf %mul3A_725, %mul3A_727 : vector<16xf32>
          %add3A_756 = arith.addf %mul3A_729, %mul3A_731 : vector<16xf32>
          %add3A_757 = arith.addf %mul3A_733, %mul3A_735 : vector<16xf32>
          %add3A_758 = arith.addf %mul3A_737, %mul3A_739 : vector<16xf32>
          %add3A_759 = arith.addf %mul3A_741, %mul3A_743 : vector<16xf32>
          %add3A_760 = arith.addf %add3A_744, %add3A_745 : vector<16xf32>
          %add3A_761 = arith.addf %add3A_746, %add3A_747 : vector<16xf32>
          %add3A_762 = arith.addf %add3A_748, %add3A_749 : vector<16xf32>
          %add3A_763 = arith.addf %add3A_750, %add3A_751 : vector<16xf32>
          %add3A_764 = arith.addf %add3A_752, %add3A_753 : vector<16xf32>
          %add3A_765 = arith.addf %add3A_754, %add3A_755 : vector<16xf32>
          %add3A_766 = arith.addf %add3A_756, %add3A_757 : vector<16xf32>
          %add3A_767 = arith.addf %add3A_758, %add3A_759 : vector<16xf32>
          %add3A_768 = arith.addf %add3A_760, %add3A_761 : vector<16xf32>
          %add3A_769 = arith.addf %add3A_762, %add3A_763 : vector<16xf32>
          %add3A_770 = arith.addf %add3A_764, %add3A_765 : vector<16xf32>
          %add3A_771 = arith.addf %add3A_766, %add3A_767 : vector<16xf32>
          %add3A_772 = arith.addf %add3A_768, %add3A_769 : vector<16xf32>
          %add3A_773 = arith.addf %add3A_770, %add3A_771 : vector<16xf32>
          %add3A_774 = arith.addf %add3A_772, %add3A_773 : vector<16xf32>
          %neg3A_775 = arith.constant 0.000000e+00 : f32
          %neg3A_776 = vector.broadcast %neg3A_775 : f32 to vector<16xf32>
          %neg3A_777 = arith.subf %neg3A_776, %add3A_774 : vector<16xf32>
          %add3A_778 = arith.constant 1 : i32
          %add3A_779 = arith.addi %mul3A_563, %add3A_778 : i32
          %mul3A_780 = arith.constant 128 : i32
          %mul3A_781 = arith.muli %add3A_779, %mul3A_780 : i32
          %add3A_782 = arith.constant 128 : i32
          %add3A_783 = arith.addi %add3A_782, %mul3A_781 : i32
          %mul3A_784 = arith.constant 16 : i32
          %mul3A_785 = arith.muli %scan3A_418, %mul3A_784 : i32
          %add3A_786 = arith.addi %add3A_783, %mul3A_785 : i32
          %swap3A_787 = arith.index_cast %add3A_786 : i32 to index
          %swap3A_788 = tpu.vector_load %arg14[%swap3A_787] {strides = array<i32>} : memref<2688xf32, #tpu.memory_space<vmem>>, vector<16xf32>,
          tpu.vector_store %arg14[%swap3A_787], %neg3A_777 {strides = array<i32>} : memref<2688xf32, #tpu.memory_space<vmem>>, vector<16xf32>,
          %add3A_789 = arith.constant 2 : i32
          %add3A_790 = arith.addi %mul3A_563, %add3A_789 : i32
          %add3A_791 = vector.broadcast %add3A_790 : i32 to vector<16xi32>
          %add3A_792 = arith.addi %mul3A_554, %add3A_791 : vector<16xi32>
          %gather3A_793 = tpu.vector_load_idx %arg13[%add3A_792, %broadcast_in_dim3A_1] : memref<2560x32xf32, #tpu.memory_space<vmem>>[vector<16xi32>, vector<16xi32>], vector<16xf32>,
          %mul3A_794 = arith.mulf %gather3A, %gather3A_793 : vector<16xf32>
          %gather3A_795 = tpu.vector_load_idx %arg13[%add3A_792, %broadcast_in_dim3A_3] : memref<2560x32xf32, #tpu.memory_space<vmem>>[vector<16xi32>, vector<16xi32>], vector<16xf32>,
          %mul3A_796 = arith.mulf %gather3A_423, %gather3A_795 : vector<16xf32>
          %gather3A_797 = tpu.vector_load_idx %arg13[%add3A_792, %broadcast_in_dim3A_5] : memref<2560x32xf32, #tpu.memory_space<vmem>>[vector<16xi32>, vector<16xi32>], vector<16xf32>,
          %mul3A_798 = arith.mulf %gather3A_424, %gather3A_797 : vector<16xf32>
          %gather3A_799 = tpu.vector_load_idx %arg13[%add3A_792, %broadcast_in_dim3A_7] : memref<2560x32xf32, #tpu.memory_space<vmem>>[vector<16xi32>, vector<16xi32>], vector<16xf32>,
          %mul3A_800 = arith.mulf %gather3A_425, %gather3A_799 : vector<16xf32>
          %gather3A_801 = tpu.vector_load_idx %arg13[%add3A_792, %broadcast_in_dim3A_9] : memref<2560x32xf32, #tpu.memory_space<vmem>>[vector<16xi32>, vector<16xi32>], vector<16xf32>,
          %mul3A_802 = arith.mulf %gather3A_426, %gather3A_801 : vector<16xf32>
          %gather3A_803 = tpu.vector_load_idx %arg13[%add3A_792, %broadcast_in_dim3A_11] : memref<2560x32xf32, #tpu.memory_space<vmem>>[vector<16xi32>, vector<16xi32>], vector<16xf32>,
          %mul3A_804 = arith.mulf %gather3A_427, %gather3A_803 : vector<16xf32>
          %gather3A_805 = tpu.vector_load_idx %arg13[%add3A_792, %broadcast_in_dim3A_13] : memref<2560x32xf32, #tpu.memory_space<vmem>>[vector<16xi32>, vector<16xi32>], vector<16xf32>,
          %mul3A_806 = arith.mulf %gather3A_428, %gather3A_805 : vector<16xf32>
          %gather3A_807 = tpu.vector_load_idx %arg13[%add3A_792, %broadcast_in_dim3A_15] : memref<2560x32xf32, #tpu.memory_space<vmem>>[vector<16xi32>, vector<16xi32>], vector<16xf32>,
          %mul3A_808 = arith.mulf %gather3A_429, %gather3A_807 : vector<16xf32>
          %gather3A_809 = tpu.vector_load_idx %arg13[%add3A_792, %broadcast_in_dim3A_17] : memref<2560x32xf32, #tpu.memory_space<vmem>>[vector<16xi32>, vector<16xi32>], vector<16xf32>,
          %mul3A_810 = arith.mulf %gather3A_430, %gather3A_809 : vector<16xf32>
          %gather3A_811 = tpu.vector_load_idx %arg13[%add3A_792, %broadcast_in_dim3A_19] : memref<2560x32xf32, #tpu.memory_space<vmem>>[vector<16xi32>, vector<16xi32>], vector<16xf32>,
          %mul3A_812 = arith.mulf %gather3A_431, %gather3A_811 : vector<16xf32>
          %gather3A_813 = tpu.vector_load_idx %arg13[%add3A_792, %broadcast_in_dim3A_21] : memref<2560x32xf32, #tpu.memory_space<vmem>>[vector<16xi32>, vector<16xi32>], vector<16xf32>,
          %mul3A_814 = arith.mulf %gather3A_432, %gather3A_813 : vector<16xf32>
          %gather3A_815 = tpu.vector_load_idx %arg13[%add3A_792, %broadcast_in_dim3A_23] : memref<2560x32xf32, #tpu.memory_space<vmem>>[vector<16xi32>, vector<16xi32>], vector<16xf32>,
          %mul3A_816 = arith.mulf %gather3A_433, %gather3A_815 : vector<16xf32>
          %gather3A_817 = tpu.vector_load_idx %arg13[%add3A_792, %broadcast_in_dim3A_25] : memref<2560x32xf32, #tpu.memory_space<vmem>>[vector<16xi32>, vector<16xi32>], vector<16xf32>,
          %mul3A_818 = arith.mulf %gather3A_434, %gather3A_817 : vector<16xf32>
          %gather3A_819 = tpu.vector_load_idx %arg13[%add3A_792, %broadcast_in_dim3A_27] : memref<2560x32xf32, #tpu.memory_space<vmem>>[vector<16xi32>, vector<16xi32>], vector<16xf32>,
          %mul3A_820 = arith.mulf %gather3A_435, %gather3A_819 : vector<16xf32>
          %gather3A_821 = tpu.vector_load_idx %arg13[%add3A_792, %broadcast_in_dim3A_29] : memref<2560x32xf32, #tpu.memory_space<vmem>>[vector<16xi32>, vector<16xi32>], vector<16xf32>,
          %mul3A_822 = arith.mulf %gather3A_436, %gather3A_821 : vector<16xf32>
          %gather3A_823 = tpu.vector_load_idx %arg13[%add3A_792, %broadcast_in_dim3A_31] : memref<2560x32xf32, #tpu.memory_space<vmem>>[vector<16xi32>, vector<16xi32>], vector<16xf32>,
          %mul3A_824 = arith.mulf %gather3A_437, %gather3A_823 : vector<16xf32>
          %gather3A_825 = tpu.vector_load_idx %arg13[%add3A_792, %broadcast_in_dim3A_33] : memref<2560x32xf32, #tpu.memory_space<vmem>>[vector<16xi32>, vector<16xi32>], vector<16xf32>,
          %mul3A_826 = arith.mulf %gather3A_438, %gather3A_825 : vector<16xf32>
          %gather3A_827 = tpu.vector_load_idx %arg13[%add3A_792, %broadcast_in_dim3A_35] : memref<2560x32xf32, #tpu.memory_space<vmem>>[vector<16xi32>, vector<16xi32>], vector<16xf32>,
          %mul3A_828 = arith.mulf %gather3A_439, %gather3A_827 : vector<16xf32>
          %gather3A_829 = tpu.vector_load_idx %arg13[%add3A_792, %broadcast_in_dim3A_37] : memref<2560x32xf32, #tpu.memory_space<vmem>>[vector<16xi32>, vector<16xi32>], vector<16xf32>,
          %mul3A_830 = arith.mulf %gather3A_440, %gather3A_829 : vector<16xf32>
          %gather3A_831 = tpu.vector_load_idx %arg13[%add3A_792, %broadcast_in_dim3A_39] : memref<2560x32xf32, #tpu.memory_space<vmem>>[vector<16xi32>, vector<16xi32>], vector<16xf32>,
          %mul3A_832 = arith.mulf %gather3A_441, %gather3A_831 : vector<16xf32>
          %gather3A_833 = tpu.vector_load_idx %arg13[%add3A_792, %broadcast_in_dim3A_41] : memref<2560x32xf32, #tpu.memory_space<vmem>>[vector<16xi32>, vector<16xi32>], vector<16xf32>,
          %mul3A_834 = arith.mulf %gather3A_442, %gather3A_833 : vector<16xf32>
          %gather3A_835 = tpu.vector_load_idx %arg13[%add3A_792, %broadcast_in_dim3A_43] : memref<2560x32xf32, #tpu.memory_space<vmem>>[vector<16xi32>, vector<16xi32>], vector<16xf32>,
          %mul3A_836 = arith.mulf %gather3A_443, %gather3A_835 : vector<16xf32>
          %gather3A_837 = tpu.vector_load_idx %arg13[%add3A_792, %broadcast_in_dim3A_45] : memref<2560x32xf32, #tpu.memory_space<vmem>>[vector<16xi32>, vector<16xi32>], vector<16xf32>,
          %mul3A_838 = arith.mulf %gather3A_444, %gather3A_837 : vector<16xf32>
          %gather3A_839 = tpu.vector_load_idx %arg13[%add3A_792, %broadcast_in_dim3A_47] : memref<2560x32xf32, #tpu.memory_space<vmem>>[vector<16xi32>, vector<16xi32>], vector<16xf32>,
          %mul3A_840 = arith.mulf %gather3A_445, %gather3A_839 : vector<16xf32>
          %gather3A_841 = tpu.vector_load_idx %arg13[%add3A_792, %broadcast_in_dim3A_49] : memref<2560x32xf32, #tpu.memory_space<vmem>>[vector<16xi32>, vector<16xi32>], vector<16xf32>,
          %mul3A_842 = arith.mulf %gather3A_446, %gather3A_841 : vector<16xf32>
          %gather3A_843 = tpu.vector_load_idx %arg13[%add3A_792, %broadcast_in_dim3A_51] : memref<2560x32xf32, #tpu.memory_space<vmem>>[vector<16xi32>, vector<16xi32>], vector<16xf32>,
          %mul3A_844 = arith.mulf %gather3A_447, %gather3A_843 : vector<16xf32>
          %gather3A_845 = tpu.vector_load_idx %arg13[%add3A_792, %broadcast_in_dim3A_53] : memref<2560x32xf32, #tpu.memory_space<vmem>>[vector<16xi32>, vector<16xi32>], vector<16xf32>,
          %mul3A_846 = arith.mulf %gather3A_448, %gather3A_845 : vector<16xf32>
          %gather3A_847 = tpu.vector_load_idx %arg13[%add3A_792, %broadcast_in_dim3A_55] : memref<2560x32xf32, #tpu.memory_space<vmem>>[vector<16xi32>, vector<16xi32>], vector<16xf32>,
          %mul3A_848 = arith.mulf %gather3A_449, %gather3A_847 : vector<16xf32>
          %gather3A_849 = tpu.vector_load_idx %arg13[%add3A_792, %broadcast_in_dim3A_57] : memref<2560x32xf32, #tpu.memory_space<vmem>>[vector<16xi32>, vector<16xi32>], vector<16xf32>,
          %mul3A_850 = arith.mulf %gather3A_450, %gather3A_849 : vector<16xf32>
          %gather3A_851 = tpu.vector_load_idx %arg13[%add3A_792, %broadcast_in_dim3A_59] : memref<2560x32xf32, #tpu.memory_space<vmem>>[vector<16xi32>, vector<16xi32>], vector<16xf32>,
          %mul3A_852 = arith.mulf %gather3A_451, %gather3A_851 : vector<16xf32>
          %gather3A_853 = tpu.vector_load_idx %arg13[%add3A_792, %broadcast_in_dim3A_61] : memref<2560x32xf32, #tpu.memory_space<vmem>>[vector<16xi32>, vector<16xi32>], vector<16xf32>,
          %mul3A_854 = arith.mulf %gather3A_452, %gather3A_853 : vector<16xf32>
          %gather3A_855 = tpu.vector_load_idx %arg13[%add3A_792, %broadcast_in_dim3A_63] : memref<2560x32xf32, #tpu.memory_space<vmem>>[vector<16xi32>, vector<16xi32>], vector<16xf32>,
          %mul3A_856 = arith.mulf %gather3A_453, %gather3A_855 : vector<16xf32>
          %add3A_857 = arith.addf %mul3A_794, %mul3A_796 : vector<16xf32>
          %add3A_858 = arith.addf %mul3A_798, %mul3A_800 : vector<16xf32>
          %add3A_859 = arith.addf %mul3A_802, %mul3A_804 : vector<16xf32>
          %add3A_860 = arith.addf %mul3A_806, %mul3A_808 : vector<16xf32>
          %add3A_861 = arith.addf %mul3A_810, %mul3A_812 : vector<16xf32>
          %add3A_862 = arith.addf %mul3A_814, %mul3A_816 : vector<16xf32>
          %add3A_863 = arith.addf %mul3A_818, %mul3A_820 : vector<16xf32>
          %add3A_864 = arith.addf %mul3A_822, %mul3A_824 : vector<16xf32>
          %add3A_865 = arith.addf %mul3A_826, %mul3A_828 : vector<16xf32>
          %add3A_866 = arith.addf %mul3A_830, %mul3A_832 : vector<16xf32>
          %add3A_867 = arith.addf %mul3A_834, %mul3A_836 : vector<16xf32>
          %add3A_868 = arith.addf %mul3A_838, %mul3A_840 : vector<16xf32>
          %add3A_869 = arith.addf %mul3A_842, %mul3A_844 : vector<16xf32>
          %add3A_870 = arith.addf %mul3A_846, %mul3A_848 : vector<16xf32>
          %add3A_871 = arith.addf %mul3A_850, %mul3A_852 : vector<16xf32>
          %add3A_872 = arith.addf %mul3A_854, %mul3A_856 : vector<16xf32>
          %add3A_873 = arith.addf %add3A_857, %add3A_858 : vector<16xf32>
          %add3A_874 = arith.addf %add3A_859, %add3A_860 : vector<16xf32>
          %add3A_875 = arith.addf %add3A_861, %add3A_862 : vector<16xf32>
          %add3A_876 = arith.addf %add3A_863, %add3A_864 : vector<16xf32>
          %add3A_877 = arith.addf %add3A_865, %add3A_866 : vector<16xf32>
          %add3A_878 = arith.addf %add3A_867, %add3A_868 : vector<16xf32>
          %add3A_879 = arith.addf %add3A_869, %add3A_870 : vector<16xf32>
          %add3A_880 = arith.addf %add3A_871, %add3A_872 : vector<16xf32>
          %add3A_881 = arith.addf %add3A_873, %add3A_874 : vector<16xf32>
          %add3A_882 = arith.addf %add3A_875, %add3A_876 : vector<16xf32>
          %add3A_883 = arith.addf %add3A_877, %add3A_878 : vector<16xf32>
          %add3A_884 = arith.addf %add3A_879, %add3A_880 : vector<16xf32>
          %add3A_885 = arith.addf %add3A_881, %add3A_882 : vector<16xf32>
          %add3A_886 = arith.addf %add3A_883, %add3A_884 : vector<16xf32>
          %add3A_887 = arith.addf %add3A_885, %add3A_886 : vector<16xf32>
          %neg3A_888 = arith.constant 0.000000e+00 : f32
          %neg3A_889 = vector.broadcast %neg3A_888 : f32 to vector<16xf32>
          %neg3A_890 = arith.subf %neg3A_889, %add3A_887 : vector<16xf32>
          %add3A_891 = arith.constant 2 : i32
          %add3A_892 = arith.addi %mul3A_563, %add3A_891 : i32
          %mul3A_893 = arith.constant 128 : i32
          %mul3A_894 = arith.muli %add3A_892, %mul3A_893 : i32
          %add3A_895 = arith.constant 128 : i32
          %add3A_896 = arith.addi %add3A_895, %mul3A_894 : i32
          %mul3A_897 = arith.constant 16 : i32
          %mul3A_898 = arith.muli %scan3A_418, %mul3A_897 : i32
          %add3A_899 = arith.addi %add3A_896, %mul3A_898 : i32
          %swap3A_900 = arith.index_cast %add3A_899 : i32 to index
          %swap3A_901 = tpu.vector_load %arg14[%swap3A_900] {strides = array<i32>} : memref<2688xf32, #tpu.memory_space<vmem>>, vector<16xf32>,
          tpu.vector_store %arg14[%swap3A_900], %neg3A_890 {strides = array<i32>} : memref<2688xf32, #tpu.memory_space<vmem>>, vector<16xf32>,
          %add3A_902 = arith.constant 3 : i32
          %add3A_903 = arith.addi %mul3A_563, %add3A_902 : i32
          %add3A_904 = vector.broadcast %add3A_903 : i32 to vector<16xi32>
          %add3A_905 = arith.addi %mul3A_554, %add3A_904 : vector<16xi32>
          %gather3A_906 = tpu.vector_load_idx %arg13[%add3A_905, %broadcast_in_dim3A_1] : memref<2560x32xf32, #tpu.memory_space<vmem>>[vector<16xi32>, vector<16xi32>], vector<16xf32>,
          %mul3A_907 = arith.mulf %gather3A, %gather3A_906 : vector<16xf32>
          %gather3A_908 = tpu.vector_load_idx %arg13[%add3A_905, %broadcast_in_dim3A_3] : memref<2560x32xf32, #tpu.memory_space<vmem>>[vector<16xi32>, vector<16xi32>], vector<16xf32>,
          %mul3A_909 = arith.mulf %gather3A_423, %gather3A_908 : vector<16xf32>
          %gather3A_910 = tpu.vector_load_idx %arg13[%add3A_905, %broadcast_in_dim3A_5] : memref<2560x32xf32, #tpu.memory_space<vmem>>[vector<16xi32>, vector<16xi32>], vector<16xf32>,
          %mul3A_911 = arith.mulf %gather3A_424, %gather3A_910 : vector<16xf32>
          %gather3A_912 = tpu.vector_load_idx %arg13[%add3A_905, %broadcast_in_dim3A_7] : memref<2560x32xf32, #tpu.memory_space<vmem>>[vector<16xi32>, vector<16xi32>], vector<16xf32>,
          %mul3A_913 = arith.mulf %gather3A_425, %gather3A_912 : vector<16xf32>
          %gather3A_914 = tpu.vector_load_idx %arg13[%add3A_905, %broadcast_in_dim3A_9] : memref<2560x32xf32, #tpu.memory_space<vmem>>[vector<16xi32>, vector<16xi32>], vector<16xf32>,
          %mul3A_915 = arith.mulf %gather3A_426, %gather3A_914 : vector<16xf32>
          %gather3A_916 = tpu.vector_load_idx %arg13[%add3A_905, %broadcast_in_dim3A_11] : memref<2560x32xf32, #tpu.memory_space<vmem>>[vector<16xi32>, vector<16xi32>], vector<16xf32>,
          %mul3A_917 = arith.mulf %gather3A_427, %gather3A_916 : vector<16xf32>
          %gather3A_918 = tpu.vector_load_idx %arg13[%add3A_905, %broadcast_in_dim3A_13] : memref<2560x32xf32, #tpu.memory_space<vmem>>[vector<16xi32>, vector<16xi32>], vector<16xf32>,
          %mul3A_919 = arith.mulf %gather3A_428, %gather3A_918 : vector<16xf32>
          %gather3A_920 = tpu.vector_load_idx %arg13[%add3A_905, %broadcast_in_dim3A_15] : memref<2560x32xf32, #tpu.memory_space<vmem>>[vector<16xi32>, vector<16xi32>], vector<16xf32>,
          %mul3A_921 = arith.mulf %gather3A_429, %gather3A_920 : vector<16xf32>
          %gather3A_922 = tpu.vector_load_idx %arg13[%add3A_905, %broadcast_in_dim3A_17] : memref<2560x32xf32, #tpu.memory_space<vmem>>[vector<16xi32>, vector<16xi32>], vector<16xf32>,
          %mul3A_923 = arith.mulf %gather3A_430, %gather3A_922 : vector<16xf32>
          %gather3A_924 = tpu.vector_load_idx %arg13[%add3A_905, %broadcast_in_dim3A_19] : memref<2560x32xf32, #tpu.memory_space<vmem>>[vector<16xi32>, vector<16xi32>], vector<16xf32>,
          %mul3A_925 = arith.mulf %gather3A_431, %gather3A_924 : vector<16xf32>
          %gather3A_926 = tpu.vector_load_idx %arg13[%add3A_905, %broadcast_in_dim3A_21] : memref<2560x32xf32, #tpu.memory_space<vmem>>[vector<16xi32>, vector<16xi32>], vector<16xf32>,
          %mul3A_927 = arith.mulf %gather3A_432, %gather3A_926 : vector<16xf32>
          %gather3A_928 = tpu.vector_load_idx %arg13[%add3A_905, %broadcast_in_dim3A_23] : memref<2560x32xf32, #tpu.memory_space<vmem>>[vector<16xi32>, vector<16xi32>], vector<16xf32>,
          %mul3A_929 = arith.mulf %gather3A_433, %gather3A_928 : vector<16xf32>
          %gather3A_930 = tpu.vector_load_idx %arg13[%add3A_905, %broadcast_in_dim3A_25] : memref<2560x32xf32, #tpu.memory_space<vmem>>[vector<16xi32>, vector<16xi32>], vector<16xf32>,
          %mul3A_931 = arith.mulf %gather3A_434, %gather3A_930 : vector<16xf32>
          %gather3A_932 = tpu.vector_load_idx %arg13[%add3A_905, %broadcast_in_dim3A_27] : memref<2560x32xf32, #tpu.memory_space<vmem>>[vector<16xi32>, vector<16xi32>], vector<16xf32>,
          %mul3A_933 = arith.mulf %gather3A_435, %gather3A_932 : vector<16xf32>
          %gather3A_934 = tpu.vector_load_idx %arg13[%add3A_905, %broadcast_in_dim3A_29] : memref<2560x32xf32, #tpu.memory_space<vmem>>[vector<16xi32>, vector<16xi32>], vector<16xf32>,
          %mul3A_935 = arith.mulf %gather3A_436, %gather3A_934 : vector<16xf32>
          %gather3A_936 = tpu.vector_load_idx %arg13[%add3A_905, %broadcast_in_dim3A_31] : memref<2560x32xf32, #tpu.memory_space<vmem>>[vector<16xi32>, vector<16xi32>], vector<16xf32>,
          %mul3A_937 = arith.mulf %gather3A_437, %gather3A_936 : vector<16xf32>
          %gather3A_938 = tpu.vector_load_idx %arg13[%add3A_905, %broadcast_in_dim3A_33] : memref<2560x32xf32, #tpu.memory_space<vmem>>[vector<16xi32>, vector<16xi32>], vector<16xf32>,
          %mul3A_939 = arith.mulf %gather3A_438, %gather3A_938 : vector<16xf32>
          %gather3A_940 = tpu.vector_load_idx %arg13[%add3A_905, %broadcast_in_dim3A_35] : memref<2560x32xf32, #tpu.memory_space<vmem>>[vector<16xi32>, vector<16xi32>], vector<16xf32>,
          %mul3A_941 = arith.mulf %gather3A_439, %gather3A_940 : vector<16xf32>
          %gather3A_942 = tpu.vector_load_idx %arg13[%add3A_905, %broadcast_in_dim3A_37] : memref<2560x32xf32, #tpu.memory_space<vmem>>[vector<16xi32>, vector<16xi32>], vector<16xf32>,
          %mul3A_943 = arith.mulf %gather3A_440, %gather3A_942 : vector<16xf32>
          %gather3A_944 = tpu.vector_load_idx %arg13[%add3A_905, %broadcast_in_dim3A_39] : memref<2560x32xf32, #tpu.memory_space<vmem>>[vector<16xi32>, vector<16xi32>], vector<16xf32>,
          %mul3A_945 = arith.mulf %gather3A_441, %gather3A_944 : vector<16xf32>
          %gather3A_946 = tpu.vector_load_idx %arg13[%add3A_905, %broadcast_in_dim3A_41] : memref<2560x32xf32, #tpu.memory_space<vmem>>[vector<16xi32>, vector<16xi32>], vector<16xf32>,
          %mul3A_947 = arith.mulf %gather3A_442, %gather3A_946 : vector<16xf32>
          %gather3A_948 = tpu.vector_load_idx %arg13[%add3A_905, %broadcast_in_dim3A_43] : memref<2560x32xf32, #tpu.memory_space<vmem>>[vector<16xi32>, vector<16xi32>], vector<16xf32>,
          %mul3A_949 = arith.mulf %gather3A_443, %gather3A_948 : vector<16xf32>
          %gather3A_950 = tpu.vector_load_idx %arg13[%add3A_905, %broadcast_in_dim3A_45] : memref<2560x32xf32, #tpu.memory_space<vmem>>[vector<16xi32>, vector<16xi32>], vector<16xf32>,
          %mul3A_951 = arith.mulf %gather3A_444, %gather3A_950 : vector<16xf32>
          %gather3A_952 = tpu.vector_load_idx %arg13[%add3A_905, %broadcast_in_dim3A_47] : memref<2560x32xf32, #tpu.memory_space<vmem>>[vector<16xi32>, vector<16xi32>], vector<16xf32>,
          %mul3A_953 = arith.mulf %gather3A_445, %gather3A_952 : vector<16xf32>
          %gather3A_954 = tpu.vector_load_idx %arg13[%add3A_905, %broadcast_in_dim3A_49] : memref<2560x32xf32, #tpu.memory_space<vmem>>[vector<16xi32>, vector<16xi32>], vector<16xf32>,
          %mul3A_955 = arith.mulf %gather3A_446, %gather3A_954 : vector<16xf32>
          %gather3A_956 = tpu.vector_load_idx %arg13[%add3A_905, %broadcast_in_dim3A_51] : memref<2560x32xf32, #tpu.memory_space<vmem>>[vector<16xi32>, vector<16xi32>], vector<16xf32>,
          %mul3A_957 = arith.mulf %gather3A_447, %gather3A_956 : vector<16xf32>
          %gather3A_958 = tpu.vector_load_idx %arg13[%add3A_905, %broadcast_in_dim3A_53] : memref<2560x32xf32, #tpu.memory_space<vmem>>[vector<16xi32>, vector<16xi32>], vector<16xf32>,
          %mul3A_959 = arith.mulf %gather3A_448, %gather3A_958 : vector<16xf32>
          %gather3A_960 = tpu.vector_load_idx %arg13[%add3A_905, %broadcast_in_dim3A_55] : memref<2560x32xf32, #tpu.memory_space<vmem>>[vector<16xi32>, vector<16xi32>], vector<16xf32>,
          %mul3A_961 = arith.mulf %gather3A_449, %gather3A_960 : vector<16xf32>
          %gather3A_962 = tpu.vector_load_idx %arg13[%add3A_905, %broadcast_in_dim3A_57] : memref<2560x32xf32, #tpu.memory_space<vmem>>[vector<16xi32>, vector<16xi32>], vector<16xf32>,
          %mul3A_963 = arith.mulf %gather3A_450, %gather3A_962 : vector<16xf32>
          %gather3A_964 = tpu.vector_load_idx %arg13[%add3A_905, %broadcast_in_dim3A_59] : memref<2560x32xf32, #tpu.memory_space<vmem>>[vector<16xi32>, vector<16xi32>], vector<16xf32>,
          %mul3A_965 = arith.mulf %gather3A_451, %gather3A_964 : vector<16xf32>
          %gather3A_966 = tpu.vector_load_idx %arg13[%add3A_905, %broadcast_in_dim3A_61] : memref<2560x32xf32, #tpu.memory_space<vmem>>[vector<16xi32>, vector<16xi32>], vector<16xf32>,
          %mul3A_967 = arith.mulf %gather3A_452, %gather3A_966 : vector<16xf32>
          %gather3A_968 = tpu.vector_load_idx %arg13[%add3A_905, %broadcast_in_dim3A_63] : memref<2560x32xf32, #tpu.memory_space<vmem>>[vector<16xi32>, vector<16xi32>], vector<16xf32>,
          %mul3A_969 = arith.mulf %gather3A_453, %gather3A_968 : vector<16xf32>
          %add3A_970 = arith.addf %mul3A_907, %mul3A_909 : vector<16xf32>
          %add3A_971 = arith.addf %mul3A_911, %mul3A_913 : vector<16xf32>
          %add3A_972 = arith.addf %mul3A_915, %mul3A_917 : vector<16xf32>
          %add3A_973 = arith.addf %mul3A_919, %mul3A_921 : vector<16xf32>
          %add3A_974 = arith.addf %mul3A_923, %mul3A_925 : vector<16xf32>
          %add3A_975 = arith.addf %mul3A_927, %mul3A_929 : vector<16xf32>
          %add3A_976 = arith.addf %mul3A_931, %mul3A_933 : vector<16xf32>
          %add3A_977 = arith.addf %mul3A_935, %mul3A_937 : vector<16xf32>
          %add3A_978 = arith.addf %mul3A_939, %mul3A_941 : vector<16xf32>
          %add3A_979 = arith.addf %mul3A_943, %mul3A_945 : vector<16xf32>
          %add3A_980 = arith.addf %mul3A_947, %mul3A_949 : vector<16xf32>
          %add3A_981 = arith.addf %mul3A_951, %mul3A_953 : vector<16xf32>
          %add3A_982 = arith.addf %mul3A_955, %mul3A_957 : vector<16xf32>
          %add3A_983 = arith.addf %mul3A_959, %mul3A_961 : vector<16xf32>
          %add3A_984 = arith.addf %mul3A_963, %mul3A_965 : vector<16xf32>
          %add3A_985 = arith.addf %mul3A_967, %mul3A_969 : vector<16xf32>
          %add3A_986 = arith.addf %add3A_970, %add3A_971 : vector<16xf32>
          %add3A_987 = arith.addf %add3A_972, %add3A_973 : vector<16xf32>
          %add3A_988 = arith.addf %add3A_974, %add3A_975 : vector<16xf32>
          %add3A_989 = arith.addf %add3A_976, %add3A_977 : vector<16xf32>
          %add3A_990 = arith.addf %add3A_978, %add3A_979 : vector<16xf32>
          %add3A_991 = arith.addf %add3A_980, %add3A_981 : vector<16xf32>
          %add3A_992 = arith.addf %add3A_982, %add3A_983 : vector<16xf32>
          %add3A_993 = arith.addf %add3A_984, %add3A_985 : vector<16xf32>
          %add3A_994 = arith.addf %add3A_986, %add3A_987 : vector<16xf32>
          %add3A_995 = arith.addf %add3A_988, %add3A_989 : vector<16xf32>
          %add3A_996 = arith.addf %add3A_990, %add3A_991 : vector<16xf32>
          %add3A_997 = arith.addf %add3A_992, %add3A_993 : vector<16xf32>
          %add3A_998 = arith.addf %add3A_994, %add3A_995 : vector<16xf32>
          %add3A_999 = arith.addf %add3A_996, %add3A_997 : vector<16xf32>
          %add3A_1000 = arith.addf %add3A_998, %add3A_999 : vector<16xf32>
          %neg3A_1001 = arith.constant 0.000000e+00 : f32
          %neg3A_1002 = vector.broadcast %neg3A_1001 : f32 to vector<16xf32>
          %neg3A_1003 = arith.subf %neg3A_1002, %add3A_1000 : vector<16xf32>
          %add3A_1004 = arith.constant 3 : i32
          %add3A_1005 = arith.addi %mul3A_563, %add3A_1004 : i32
          %mul3A_1006 = arith.constant 128 : i32
          %mul3A_1007 = arith.muli %add3A_1005, %mul3A_1006 : i32
          %add3A_1008 = arith.constant 128 : i32
          %add3A_1009 = arith.addi %add3A_1008, %mul3A_1007 : i32
          %mul3A_1010 = arith.constant 16 : i32
          %mul3A_1011 = arith.muli %scan3A_418, %mul3A_1010 : i32
          %add3A_1012 = arith.addi %add3A_1009, %mul3A_1011 : i32
          %swap3A_1013 = arith.index_cast %add3A_1012 : i32 to index
          %swap3A_1014 = tpu.vector_load %arg14[%swap3A_1013] {strides = array<i32>} : memref<2688xf32, #tpu.memory_space<vmem>>, vector<16xf32>,
          tpu.vector_store %arg14[%swap3A_1013], %neg3A_1003 {strides = array<i32>} : memref<2688xf32, #tpu.memory_space<vmem>>, vector<16xf32>,
        }
        %scan3A_560 = arith.constant 5 : i32
      }
      %scan3A_412 = arith.constant 8 : i32
      %mul3A_413 = arith.constant 4 : i32
      %mul3A_414 = arith.muli %add3A, %mul3A_413 : i32
      %add3A_415 = arith.addi %mul3A_414, %scan3A_69 : i32
      %mul3A_416 = arith.constant 2688 : i32
      %mul3A_417 = arith.muli %add3A_415, %mul3A_416 : i32
      "tpu.region"() ({
        %run_scoped3A = tpu.sem_alloc : memref<!tpu.dma_semaphore, #tpu.memory_space<semaphore_mem>>
        %dma_start3A_418 = tpu.memref_slice %arg7[%mul3A_417] : memref<344064xf32, #tpu.memory_space<hbm>> -> memref<2688xf32, #tpu.memory_space<hbm>>
        %dma_start3A_419 = tpu.memref_slice %arg7[%mul3A_417] : memref<344064xf32, #tpu.memory_space<hbm>> -> memref<2688xf32, #tpu.memory_space<hbm>>
        tpu.enqueue_dma source(%arg14 : memref<2688xf32, #tpu.memory_space<vmem>>) target(%dma_start3A_419 : memref<2688xf32, #tpu.memory_space<hbm>>) target_semaphore(%run_scoped3A : memref<!tpu.dma_semaphore, #tpu.memory_space<semaphore_mem>>)
        %dma_wait3A_420 = tpu.memref_slice %arg7[%mul3A_417] : memref<344064xf32, #tpu.memory_space<hbm>> -> memref<2688xf32, #tpu.memory_space<hbm>>
        %dma_wait3A_421 = tpu.memref_slice %arg7[%mul3A_417] : memref<344064xf32, #tpu.memory_space<hbm>> -> memref<2688xf32, #tpu.memory_space<hbm>>
        tpu.wait_dma2 semaphore(%run_scoped3A : memref<!tpu.dma_semaphore, #tpu.memory_space<semaphore_mem>>) src(%arg14 : memref<2688xf32, #tpu.memory_space<vmem>>) dst(%dma_wait3A_421 : memref<2688xf32, #tpu.memory_space<hbm>>)
        tpu.yield
      }) : () -> ()
    }
    %scan3A_68 = arith.constant 4 : i32
    return
  }
}

module attributes {stable_mosaic.version = 14 : i64} {
  func.func @body(%arg0: memref<2688x128xf32, #tpu.memory_space<vmem>>, %arg1: memref<1x1xf32, #tpu.memory_space<smem>>) attributes {dimension_semantics = [], scalar_prefetch = 0 : i64, scratch_operands = 0 : i64, tpu.core_type = #tpu.core_type<tc>} {
    %get3A = arith.constant 0 : index
    %get3A_0 = arith.constant 0 : index
    %get3A_1 = vector.load %arg0[%get3A, %get3A_0] : memref<2688x128xf32, #tpu.memory_space<vmem>>, vector<2688x128xf32>
    %min3A = arith.constant 0.000000e+00 : f32
    %min3A_2 = vector.broadcast %min3A : f32 to vector<2688x128xf32>
    %min3A_3 = arith.minimumf %get3A_1, %min3A_2 : vector<2688x128xf32>
    %abs3A = math.absf %get3A_1 : vector<2688x128xf32>
    %neg3A = arith.constant 0.000000e+00 : f32
    %neg3A_4 = vector.broadcast %neg3A : f32 to vector<2688x128xf32>
    %neg3A_5 = arith.subf %neg3A_4, %abs3A : vector<2688x128xf32>
    %exp3A = math.exp %neg3A_5 : vector<2688x128xf32>
    %log1p3A = math.log1p %exp3A : vector<2688x128xf32>
    %sub3A = arith.subf %min3A_3, %log1p3A : vector<2688x128xf32>
    %reduce_sum3A = arith.constant dense<0.000000e+00> : vector<2688xf32>
    %reduce_sum3A_6 = vector.multi_reduction <add>, %sub3A, %reduce_sum3A [1] : vector<2688x128xf32> to vector<2688xf32>
    %reduce_sum3A_7 = vector.shape_cast %reduce_sum3A_6 : vector<2688xf32> to vector<1x2688xf32>
    %reduce_sum3A_8 = arith.constant dense<0.000000e+00> : vector<1xf32>
    %reduce_sum3A_9 = vector.multi_reduction <add>, %reduce_sum3A_7, %reduce_sum3A_8 [1] : vector<1x2688xf32> to vector<1xf32>
    %reduce_sum3A_10 = vector.shape_cast %reduce_sum3A_9 : vector<1xf32> to vector<1x1xf32>
    %reduce_sum3A_11 = vector.extract %reduce_sum3A_10[0, 0] : f32 from vector<1x1xf32>
    %neg3A_12 = arith.constant 0.000000e+00 : f32
    %neg3A_13 = arith.subf %neg3A_12, %reduce_sum3A_11 : f32
    %swap3A = arith.constant 0 : index
    %swap3A_14 = arith.constant 0 : index
    %swap3A_15 = memref.load %arg1[%swap3A, %swap3A_14] : memref<1x1xf32, #tpu.memory_space<smem>>
    memref.store %neg3A_13, %arg1[%swap3A, %swap3A_14] : memref<1x1xf32, #tpu.memory_space<smem>>
    return
  }
}

</mosaic_0001>

<sc_bundles>
// kernel: kernel.4.cloned.1.call-start
scs
__scs_entry_jumppad:
0x0: {  	(pc) =	sbr.rel $0x88, $3  }
0x1: {  	(tag) =	ssettag $0x0;
	lr =	simm.s32 $0x1  }
0x2: {  	[smem:$0x3F9C] =	sst lr;
	_ =	strace $0xD0000000  }
0x3: {  	_ = 	snop  }
0x4: {  	_ = 	snop  }
0x5: {  	_ = 	snop  }
0x6: {  	_ = 	snop  }
0x7: {  	_ = 	snop  }
__scs_overlays_trampoline_lowered:
0x8: {  	[smem:$0x3FAB] =	sst s0  }
0x9: {  	[smem:$0x3FAC] =	sst s1  }
0xa: {  	[smem:$0x3FAD] =	sst s2  }
0xb: {  	[smem:$0x3FAE] =	sst s3  }
0xc: {  	[smem:$0x3FAF] =	sst s4  }
0xd: {  	[smem:$0x3FB0] =	sst s5  }
0xe: {  	[smem:$0x3FB1] =	sst s6  }
0xf: {  	[smem:$0x3FB2] =	sst s7  }
0x10: {  	[smem:$0x3FB3] =	sst s8  }
0x11: {  	[smem:$0x3FB4] =	sst s9;
	s0 =	simm.s32 @!p0 $0x0  }
0x12: {  	s1 =	sld [smem:$0x3F9A];
	s0 =	simm.s32 @p0 $0x1  }
0x13: {  	[smem:$0x3FB5] =	sst s0;
	s0 =	simm.s32 @!p1 $0x0  }
0x14: {  	s2 =	sld [smem:$0x3F99];
	s0 =	simm.s32 @p1 $0x1  }
0x15: {  	[smem:$0x3FB6] =	sst s0;
	s0 =	simm.s32 @!p2 $0x0  }
0x16: {  	s3 =	sld [smem:$0x3FDB];
	s0 =	simm.s32 @p2 $0x1  }
0x17: {  	s4 =	simm.s32 $0x1BF5;
	[smem:$0x3FB8] =	sst s0  }
0x18: {  	s0 =	sld [smem:$0x3F9B];
	_ =	swait.ge [sflag:s4], $0x0  }
0x19: {  	s7 =	sld [smem:$0x3F9C]  }
0x1a: {  	s8 =	sadd.s32 $0xFFFFE003, lr  }
0x1b: {  	s9 =	sadd.s32 $0xFFFFFEF7, lr;
	s5 =	simm.s32 $0xFFFFFFFF;
	p2 =	slt.u32 s8, $0xFFFFF086  }
0x1c: {  	p1 =	slt.u32 s9, $0xF7A;
	s5 =	simm.s32 @!p2 $0x0  }
0x1d: {  	s5 =	simm.s32 @p1 $0x1;
	p0 =	seq.s32 s7, s2  }
0x1e: {  	s7 =	smul.u32 @!p0 $0xF7A, s2;
	p2 =	seq.s32 @!p0 s5, $0x0  }
0x1f: {  	s9 =	smul.u32 $0xF7A, s1;
	s8 =	simm.s32 @!p0 $0x1BF5;
	p2 =	por !p2, p0  }
0x20: {  	[sflag:s8] =	ssyncset.s32 @!p0 $0xFFFFF086;
	s6 =	sadd.s32 @!p0 s3, s7;
	s7 =	simm.s32 @!p0 $0x108  }
0x21: {  	s3 =	sadd.s32 s3, s9;
	s6 =	sadd.s32 @!p0 $0x88, s6;
	s7 =	simm.s32 @p2 $0x1082  }
0x22: {  	[simem:s7], [sflag:s8] =	dma.local @!p0 [hbm:s6], $0xF7A  }
0x23: {  	s9 =	sor.u32 $0xD0000000, s2;
	s6 =	simm.s32 $0x108;
	_ =	swait.ge @!p0 [sflag:s8], $0x0  }
0x24: {  	s3 =	sadd.s32 $0x88, s3;
	s6 =	simm.s32 @!p1 $0x1082;
	[sflag:s4] =	ssyncset.s32 $0xFFFFF086  }
0x25: {  	[simem:s6], [sflag:s4] =	dma.local [hbm:s3], $0xF7A  }
0x26: {  	[smem:$0x3F9C] =	sst s1;
	(tag) =	ssettag s2;
	_ =	strace s9  }
0x27: {  	s1 =	sld [smem:$0x3FAC]  }
0x28: {  	s2 =	sld [smem:$0x3FAD]  }
0x29: {  	s4 =	sld [smem:$0x3FAF]  }
0x2a: {  	p0 =	seq.s32 s5, $0x0;
	s5 =	sld [smem:$0x3FB0]  }
0x2b: {  	s6 =	sld [smem:$0x3FB1]  }
0x2c: {  	s7 =	sld [smem:$0x3FB2]  }
0x2d: {  	s3 =	simm.s32 $0x108;
	s8 =	sld [smem:$0x3FB3]  }
0x2e: {  	s3 =	simm.s32 @!p0 $0x1082;
	s9 =	sld [smem:$0x3FB4]  }
0x2f: {  	lr =	sadd.s32 s0, s3;
	s0 =	sld [smem:$0x3FAB]  }
0x30: {  	s3 =	sld [smem:$0x3FAE]  }
0x31: {  	[smem:$0x3FB7] =	sst s10  }
0x32: {  	s10 =	sld [smem:$0x3FB5];
	_ =	sdelay $0x3  }
0x33: {  	p0 =	seq.s32 s10, $0x1;
	s10 =	sld [smem:$0x3FB7];
	_ =	sdelay $0x3  }
0x34: {  	[smem:$0x3FB7] =	sst s10  }
0x35: {  	s10 =	sld [smem:$0x3FB6];
	_ =	sdelay $0x3  }
0x36: {  	p1 =	seq.s32 s10, $0x1;
	s10 =	sld [smem:$0x3FB7];
	_ =	sdelay $0x3  }
0x37: {  	[smem:$0x3FB7] =	sst s10  }
0x38: {  	s10 =	sld [smem:$0x3FB8]  }
0x39: {  	_ = 	snop;
	(pc) =	sbr.ind lr, $3  }
0x3a: {  	_ = 	snop  }
0x3b: {  	_ = 	snop  }
0x3c: {  	p2 =	seq.s32 s10, $0x1;
	s10 =	sld [smem:$0x3FB7]  }
0x3d: {  	_ =	shalt  }
0x3e: {  	_ =	shalt  }
0x3f: {  	_ =	shalt  }
0x40: {  	_ =	shalt  }
0x41: {  	_ =	shalt  }
0x42: {  	_ =	shalt  }
0x43: {  	_ =	shalt  }
0x44: {  	_ =	shalt  }
0x45: {  	_ =	shalt  }
0x46: {  	_ =	shalt  }
0x47: {  	_ =	shalt  }
0x48: {  	_ =	shalt  }
0x49: {  	_ =	shalt  }
0x4a: {  	_ =	shalt  }
0x4b: {  	_ =	shalt  }
0x4c: {  	_ =	shalt  }
0x4d: {  	_ =	shalt  }
0x4e: {  	_ =	shalt  }
0x4f: {  	_ =	shalt  }
0x50: {  	_ =	shalt  }
0x51: {  	_ =	shalt  }
0x52: {  	_ =	shalt  }
0x53: {  	_ =	shalt  }
0x54: {  	_ =	shalt  }
0x55: {  	_ =	shalt  }
0x56: {  	_ =	shalt  }
0x57: {  	_ =	shalt  }
0x58: {  	_ =	shalt  }
0x59: {  	_ =	shalt  }
0x5a: {  	_ =	shalt  }
0x5b: {  	_ =	shalt  }
0x5c: {  	_ =	shalt  }
0x5d: {  	_ =	shalt  }
0x5e: {  	_ =	shalt  }
0x5f: {  	_ =	shalt  }
0x60: {  	_ =	shalt  }
0x61: {  	_ =	shalt  }
0x62: {  	_ =	shalt  }
0x63: {  	_ =	shalt  }
0x64: {  	_ =	shalt  }
0x65: {  	_ =	shalt  }
0x66: {  	_ =	shalt  }
0x67: {  	_ =	shalt  }
0x68: {  	_ =	shalt  }
0x69: {  	_ =	shalt  }
0x6a: {  	_ =	shalt  }
0x6b: {  	_ =	shalt  }
0x6c: {  	_ =	shalt  }
0x6d: {  	_ =	shalt  }
0x6e: {  	_ =	shalt  }
0x6f: {  	_ =	shalt  }
0x70: {  	_ =	shalt  }
0x71: {  	_ =	shalt  }
0x72: {  	_ =	shalt  }
0x73: {  	_ =	shalt  }
0x74: {  	_ =	shalt  }
0x75: {  	_ =	shalt  }
0x76: {  	_ =	shalt  }
0x77: {  	_ =	shalt  }
0x78: {  	_ =	shalt  }
0x79: {  	_ =	shalt  }
0x7a: {  	_ =	shalt  }
0x7b: {  	_ =	shalt  }
0x7c: {  	_ =	shalt  }
0x7d: {  	_ =	shalt  }
0x7e: {  	_ =	shalt  }
0x7f: {  	_ =	shalt  }
0x80: {  	_ =	shalt  }
0x81: {  	_ =	shalt  }
0x82: {  	_ =	shalt  }
0x83: {  	_ =	shalt  }
0x84: {  	_ =	shalt  }
0x85: {  	_ =	shalt  }
0x86: {  	_ =	shalt  }
0x87: {  	_ =	shalt  }
.Lfunc_end0:
.L_simem_size_0:
called_computation_lowered:
.L_overlay_start_0:
0x88: {  	s2 =	sld [smem:$0x3FD9]  }
0x89: {  	s3 =	sld [smem:$0x3FFE];
	_ =	sdelay $0x1  }
0x8a: {  	s1 =	srdreg.scid  }
0x8b: {  	s0 =	sand.u32 $0x1, s1  }
0x8c: {  	s17 =	sshll.u32 s0, $0xA;
	s2 =	sadd.s32 s3, s2  }
0x8d: {  	s2 =	sadd.s32 s2, s17  }
0x8e: {  	[smem:$0x3FC3] =	sst s2  }
0x8f: {  	_ = 	snop  }
0x90: {  	s2 =	sld [smem:$0x3FC9]  }
0x91: {  	s18 =	sld [smem:$0x3FC8];
	(tm) =	ssettm $0x1  }
0x92: {  	s4 =	sld [smem:$0x3FFB];
	_ =	sdelay $0x3  }
0x93: {  	_ =	strace s4  }
0x94: {  	s4 =	sld [smem:$0x3FFC];
	_ =	sdelay $0x3  }
0x95: {  	_ =	strace s4  }
0x96: {  	s4 =	sld [smem:$0x3FFD];
	_ =	sdelay $0x3  }
0x97: {  	_ =	strace s4  }
0x98: {  	_ =	strace $0x8FFFFFFF  }
0x99: {  	s19 =	sld [smem:$0x3FDB];
	_ =	sdelay $0x1  }
0x9a: {  	s5 =	simm.s32 $_scs_section_size  }
0x9b: {  	s6 =	simm.s32 $_size__tile_overlayer_lowered;
	s7 =	simm.s32 $_tile_overlayer_lowered  }
0x9c: {  	s22 =	simm.s32 $0x1BFF;
	s21 =	sshll.u32 s7, $0x1;
	s4 =	sadd.s32 s5, s19  }
0x9d: {  	s8 =	simm.s32 $0x0;
	s20 =	sshll.u32 s6, $0x1;
	s6 =	sadd.s32 s21, s4  }
0x9e: {  	[timem:s8], [sflag:s22] =	dma.local [hbm:s6], s20  }
0x9f: {  	_ =	swait.ge [sflag:s22], s20  }
0xa0: {  	s5 =	ssub.s32 $0x0, s20;
	[sflag:s22] =	ssyncset.done $0x0  }
0xa1: {  	[sflag:s22] =	ssyncadd.s32 s5;
	_ =	sdelay $0x1  }
0xa2: {  	s23 =	simm.s32 $0x1B8B  }
0xa3: {  	_ =	swait.ge [sflag:s23], $0x1  }
0xa4: {  	[sflag:s23] =	ssyncset.done $0x0  }
0xa5: {  	s25 =	simm.s32 $0x1B8E;
	s24 =	sld [smem:$0x3FFE];
	[sflag:s23] =	ssyncadd.s32 $0xFFFFFFFF  }
0xa6: {  	s26 =	simm.s32 $execute0_lowered;
	[smem:$0x3FD2] =	sst s25  }
0xa7: {  	s6 =	sshll.u32 s26, $0x1;
	_ =	strace $0x80000046;
	[dreg:$0x1] =	wrdreg $0xFFFFFFFF  }
0xa8: {  	s28 =	simm.s32 $_size_execute0_lowered;
	s4 =	sadd.s32 s4, s6;
	[dreg:$0x0] =	wrdreg $0x0  }
0xa9: {  	s6 =	sshll.u32 s28, $0x1;
	[dreg:$0x2] =	wrdreg s4  }
0xaa: {  	[dreg:$0x3] =	wrdreg s6  }
0xab: {  	[dreg:$0x4] =	wrdreg $0xC0  }
0xac: {  	_ =	task [dreg:s8], $0x5FFFF  }
0xad: {  	[dreg:$0x1] =	wrdreg $0xFFFFFFFF  }
0xae: {  	[dreg:$0x0] =	wrdreg $0x60  }
0xaf: {  	[dreg:$0x2] =	wrdreg s2  }
0xb0: {  	[dreg:$0x3] =	wrdreg s18  }
0xb1: {  	[dreg:$0x4] =	wrdreg s24  }
0xb2: {  	[dreg:$0x5] =	wrdreg $0x9  }
0xb3: {  	_ =	task.clear_ibuf [dreg:s8], $0x6FFFF;
	_ =	strace $0x90000046  }
0xb4: {  	s29 =	simm.s32 $0x9;
	_ =	strace $0x80000048  }
0xb5: {  	_ =	swait.ge [sflag:s29], $0x1  }
0xb6: {  	[sflag:s29] =	ssyncadd.s32 $0xFFFFFFFF  }
0xb7: {  	_ =	strace $0x90000048  }
0xb8: {  	_ =	sfence  }
0xb9: {  	s30 =	sld [smem:$0x0];
	_ =	sdelay $0x2  }
0xba: {  	s31 =	sshll.u32 s1, $0xD;
	s1 =	sshrl.u32 s1, $0x2  }
0xbb: {  	s3 =	sand.u32 $0x4000, s31;
	s1 =	sadd.s32 s1, s30  }
0xbc: {  	s0 =	sor.u32 s3, s0;
	s1 =	sshll.u32 s1, $0x11  }
0xbd: {  	s0 =	sor.u32 s1, s0  }
0xbe: {  	s0 =	sadd.s32 $0x8F2B, s0  }
0xbf: {  	[sflag:s0] =	ssyncadd.remote.s32 $0x1  }
0xc0: {  	_ =	sfence.sel $0xFFFF  }
0xc1: {  	[dreg:$0x0] =	wrdreg $0xFFFFFFFF;
	(pc) =	sbr.abs _section_cstart, $3  }
0xc2: {  	[dreg:$0x1] =	wrdreg $0xFFFFFFFF  }
0xc3: {  	_ =	task.clear_ibuf [dreg:s8], $0x2FFFF;
	_ =	strace $0x9FFFFFFF  }
0xc4: {  	(tm) =	ssettm $0x7FFFFFFF  }
0xc5: {  	_ =	shalt  }
tec
execute0_lowered:
.L_overlay_start_1:
0x0: {  	(tag) =	ssettag $0x1  }
0x1: {  	s0 =	rddreg [dreg:$0x2]  }
0x2: {  	s1 =	simm.s32 $0x0;
	s25 =	srdreg.scid;
	s3 =	stileid.u32  }
0x3: {  	s12 =	simm.s32 $0x2;
	s13 =	simm.s32 $0x80;
	s14 =	simm.s32 $0x100  }
0x4: {  	s15 =	simm.s32 $0xB00;
	s16 =	simm.s32 $0x1B00;
	s17 =	simm.s32 $0x2B00  }
0x5: {  	s28 =	simm.s32 $0x880;
	s29 =	simm.s32 $0x11B00;
	s30 =	simm.s32 $0x900  }
0x6: {  	s31 =	simm.s32 $0x12B00;
	s4 =	simm.s32 $0x13B00;
	s11 =	simm.s32 $0xA00  }
0x7: {  	s18 =	simm.s32 $0x1;
	s19 =	simm.s32 $0x16B00;
	s21 =	simm.s32 $0x0  }
0x8: {  	[smem:$0x7FF] =	sst s1;
	s5 =	sadd.s32 $0x800, s0;
	s6 =	sadd.s32 $0x1313600, s0  }
0x9: {  	s1 =	sand.u32 $0x1, s25;
	s7 =	sadd.s32 $0xF42C00, s0;
	s3 =	sshll.u32 s3, $0x1  }
0xa: {  	s8 =	sadd.s32 $0xA800, s0;
	_ =	strace $0x80000047;
	s2 =	ssub.s32 $0x2, s1  }
0xb: {  	s1 =	sor.u32 s1, s3;
	s3 =	simm.s32 $0x15B00;
	s26 =	sshrl.u32 s2, $0x1  }
0xc: {  	s9 =	sshll.u32 s1, $0x9;
	s10 =	sshll.u32 s1, $0x2;
	s0 =	ssub.s32 s2, s26  }
0xd: {  	s1 =	simm.s32 $0x14B00;
	s26 =	simm.s32 $0x10B00;
	s0 =	smax.u32 s0, $0x1  }
0xe: {  	s2 =	simm.s32 $0xA80;
	[dreg:$0x4] =	wrdreg s0;
	s0 =	simm.s32 $0x980  }
.LBB2_1:
0xf: {  	[dreg:$0x5] =	wrdreg s21;
	s20 =	simm.s32 $0x0  }
.LBB2_2:
0x10: {  	s21 =	sshll.u32 s20, $0x7  }
0x11: {  	s22 =	sadd.s32 s9, s21  }
0x12: {  	s24 =	rddreg [dreg:$0x0];
	s23 =	sshrl.u32 s22, $0x3  }
0x13: {  	s21 =	simm.s32 $0x0;
	s24 =	sadd.s32 s24, s23  }
0x14: {  	[tilespmem:s21], [sflag:$0x2] =	stream.linear.gather [hbm4b:s24+s21], $0x80, $0x38;
	[tilespmem:$0x17580] =	vst v63  }
0x15: {  	_ =	swait.ge [sflag:s12], $0x80  }
0x16: {  	[sflag:s12] =	ssyncset.done $0x0  }
0x17: {  	[sflag:s12] =	ssyncadd.s32 $0xFFFFFF80  }
0x18: {  	s25 =	rddreg [dreg:$0x1]  }
0x19: {  	s22 =	smul.u32 $0x14, s22;
	s23 =	sadd.s32 s25, s23  }
0x1a: {  	[tilespmem:s13], [sflag:$0x2] =	stream.linear.gather [hbm4b:s23+s21], $0x80, $0x38;
	[tilespmem:$0x17580] =	vst v63  }
0x1b: {  	_ =	swait.ge [sflag:s12], $0x80  }
0x1c: {  	s22 =	sshrl.u32 s22, $0x3;
	[sflag:s12] =	ssyncset.done $0x0  }
0x1d: {  	s22 =	sadd.s32 s5, s22;
	[sflag:s12] =	ssyncadd.s32 $0xFFFFFF80  }
0x1e: {  	[tilespmem:s14], [sflag:$0x2] =	stream.linear.gather [hbm4b:s22+s21], $0xA00, $0x38;
	[tilespmem:$0x17580] =	vst v63  }
0x1f: {  	_ =	swait.ge [sflag:s12], $0xA00  }
0x20: {  	[sflag:s12] =	ssyncset.done $0x0  }
0x21: {  	[sflag:s12] =	ssyncadd.s32 $0xFFFFF600  }
0x22: {  	[tilespmem:s15], [sflag:$0x1] =	stream.indirect.gather [hbm4b:s6+s13], $0x20, s21, s13, $0xb8;
	[tilespmem:$0x17580] =	vst v63  }
0x23: {  	_ = 	snop  }
0x24: {  	[tilespmem:s16], [sflag:$0x1] =	stream.indirect.gather [hbm4b:s7+s13], $0x20, s13, s13, $0xb8;
	[tilespmem:$0x17580] =	vst v63  }
0x25: {  	_ = 	snop  }
0x26: {  	[tilespmem:s17], [sflag:$0x1] =	stream.indirect.gather [hbm4b:s7+s13], $0x20, s14, s13, $0xb8;
	[tilespmem:$0x17580] =	vst v63  }
0x27: {  	s24 =	simm.s32 $0x180;
	s25 =	simm.s32 $0x3B00  }
0x28: {  	[tilespmem:s25], [sflag:$0x1] =	stream.indirect.gather [hbm4b:s7+s13], $0x20, s24, s13, $0xb8;
	[tilespmem:$0x17580] =	vst v63  }
0x29: {  	s24 =	simm.s32 $0x200;
	s25 =	simm.s32 $0x4B00  }
0x2a: {  	[tilespmem:s25], [sflag:$0x1] =	stream.indirect.gather [hbm4b:s7+s13], $0x20, s24, s13, $0xb8;
	[tilespmem:$0x17580] =	vst v63  }
0x2b: {  	s24 =	simm.s32 $0x280;
	s25 =	simm.s32 $0x5B00  }
0x2c: {  	[tilespmem:s25], [sflag:$0x1] =	stream.indirect.gather [hbm4b:s7+s13], $0x20, s24, s13, $0xb8;
	[tilespmem:$0x17580] =	vst v63  }
0x2d: {  	s24 =	simm.s32 $0x300;
	s25 =	simm.s32 $0x6B00  }
0x2e: {  	[tilespmem:s25], [sflag:$0x1] =	stream.indirect.gather [hbm4b:s7+s13], $0x20, s24, s13, $0xb8;
	[tilespmem:$0x17580] =	vst v63  }
0x2f: {  	s24 =	simm.s32 $0x380;
	s25 =	simm.s32 $0x7B00  }
0x30: {  	[tilespmem:s25], [sflag:$0x1] =	stream.indirect.gather [hbm4b:s7+s13], $0x20, s24, s13, $0xb8;
	[tilespmem:$0x17580] =	vst v63  }
0x31: {  	s24 =	simm.s32 $0x400;
	s25 =	simm.s32 $0x8B00  }
0x32: {  	[tilespmem:s25], [sflag:$0x1] =	stream.indirect.gather [hbm4b:s7+s13], $0x20, s24, s13, $0xb8;
	[tilespmem:$0x17580] =	vst v63  }
0x33: {  	s24 =	simm.s32 $0x480;
	s25 =	simm.s32 $0x9B00  }
0x34: {  	[tilespmem:s25], [sflag:$0x1] =	stream.indirect.gather [hbm4b:s7+s13], $0x20, s24, s13, $0xb8;
	[tilespmem:$0x17580] =	vst v63  }
0x35: {  	s24 =	simm.s32 $0x500;
	s25 =	simm.s32 $0xAB00  }
0x36: {  	[tilespmem:s25], [sflag:$0x1] =	stream.indirect.gather [hbm4b:s7+s13], $0x20, s24, s13, $0xb8;
	[tilespmem:$0x17580] =	vst v63  }
0x37: {  	s24 =	simm.s32 $0x580;
	s25 =	simm.s32 $0xBB00  }
0x38: {  	[tilespmem:s25], [sflag:$0x1] =	stream.indirect.gather [hbm4b:s7+s13], $0x20, s24, s13, $0xb8;
	[tilespmem:$0x17580] =	vst v63  }
0x39: {  	s24 =	simm.s32 $0x600;
	s25 =	simm.s32 $0xCB00  }
0x3a: {  	[tilespmem:s25], [sflag:$0x1] =	stream.indirect.gather [hbm4b:s7+s13], $0x20, s24, s13, $0xb8;
	[tilespmem:$0x17580] =	vst v63  }
0x3b: {  	s24 =	simm.s32 $0x680;
	s25 =	simm.s32 $0xDB00  }
0x3c: {  	[tilespmem:s25], [sflag:$0x1] =	stream.indirect.gather [hbm4b:s7+s13], $0x20, s24, s13, $0xb8;
	[tilespmem:$0x17580] =	vst v63  }
0x3d: {  	s24 =	simm.s32 $0x700;
	s25 =	simm.s32 $0xEB00  }
0x3e: {  	[tilespmem:s25], [sflag:$0x1] =	stream.indirect.gather [hbm4b:s7+s13], $0x20, s24, s13, $0xb8;
	[tilespmem:$0x17580] =	vst v63  }
0x3f: {  	s23 =	simm.s32 $0x780;
	s24 =	simm.s32 $0xFB00  }
0x40: {  	[tilespmem:s24], [sflag:$0x1] =	stream.indirect.gather [hbm4b:s7+s13], $0x20, s23, s13, $0xb8;
	[tilespmem:$0x17580] =	vst v63  }
0x41: {  	s25 =	simm.s32 $0x800  }
0x42: {  	[tilespmem:s26], [sflag:$0x1] =	stream.indirect.gather [hbm4b:s7+s13], $0x20, s25, s13, $0xb8;
	[tilespmem:$0x17580] =	vst v63  }
0x43: {  	_ = 	snop  }
0x44: {  	[tilespmem:s29], [sflag:$0x1] =	stream.indirect.gather [hbm4b:s7+s13], $0x20, s28, s13, $0xb8;
	[tilespmem:$0x17580] =	vst v63  }
0x45: {  	_ = 	snop  }
0x46: {  	[tilespmem:s31], [sflag:$0x1] =	stream.indirect.gather [hbm4b:s7+s13], $0x20, s30, s13, $0xb8;
	[tilespmem:$0x17580] =	vst v63  }
0x47: {  	_ = 	snop  }
0x48: {  	[tilespmem:s4], [sflag:$0x1] =	stream.indirect.gather [hbm4b:s7+s13], $0x20, s0, s13, $0xb8;
	[tilespmem:$0x17580] =	vst v63  }
0x49: {  	_ = 	snop  }
0x4a: {  	[tilespmem:s1], [sflag:$0x1] =	stream.indirect.gather [hbm4b:s7+s13], $0x20, s11, s13, $0xb8;
	[tilespmem:$0x17580] =	vst v63  }
0x4b: {  	_ = 	snop  }
0x4c: {  	[tilespmem:s3], [sflag:$0x1] =	stream.indirect.gather [hbm4b:s7+s13], $0x20, s2, s13, $0xb8;
	[tilespmem:$0x17580] =	vst v63  }
0x4d: {  	_ =	swait.ge [sflag:s18], $0x1000  }
0x4e: {  	[sflag:s18] =	ssyncset.done $0x0  }
0x4f: {  	[sflag:s18] =	ssyncadd.s32 $0xFFFFF000  }
0x50: {  	_ =	swait.ge [sflag:s18], $0x1000  }
0x51: {  	[sflag:s18] =	ssyncset.done $0x0  }
0x52: {  	[sflag:s18] =	ssyncadd.s32 $0xFFFFF000  }
0x53: {  	_ =	swait.ge [sflag:s18], $0x1000  }
0x54: {  	[sflag:s18] =	ssyncset.done $0x0  }
0x55: {  	[sflag:s18] =	ssyncadd.s32 $0xFFFFF000  }
0x56: {  	_ =	swait.ge [sflag:s18], $0x1000  }
0x57: {  	[sflag:s18] =	ssyncset.done $0x0  }
0x58: {  	[sflag:s18] =	ssyncadd.s32 $0xFFFFF000  }
0x59: {  	_ =	swait.ge [sflag:s18], $0x1000  }
0x5a: {  	[sflag:s18] =	ssyncset.done $0x0  }
0x5b: {  	[sflag:s18] =	ssyncadd.s32 $0xFFFFF000  }
0x5c: {  	_ =	swait.ge [sflag:s18], $0x1000  }
0x5d: {  	[sflag:s18] =	ssyncset.done $0x0  }
0x5e: {  	[sflag:s18] =	ssyncadd.s32 $0xFFFFF000  }
0x5f: {  	_ =	swait.ge [sflag:s18], $0x1000  }
0x60: {  	[sflag:s18] =	ssyncset.done $0x0  }
0x61: {  	[sflag:s18] =	ssyncadd.s32 $0xFFFFF000  }
0x62: {  	_ =	swait.ge [sflag:s18], $0x1000  }
0x63: {  	[sflag:s18] =	ssyncset.done $0x0  }
0x64: {  	[sflag:s18] =	ssyncadd.s32 $0xFFFFF000  }
0x65: {  	_ =	swait.ge [sflag:s18], $0x1000  }
0x66: {  	[sflag:s18] =	ssyncset.done $0x0  }
0x67: {  	[sflag:s18] =	ssyncadd.s32 $0xFFFFF000  }
0x68: {  	_ =	swait.ge [sflag:s18], $0x1000  }
0x69: {  	[sflag:s18] =	ssyncset.done $0x0  }
0x6a: {  	[sflag:s18] =	ssyncadd.s32 $0xFFFFF000  }
0x6b: {  	_ =	swait.ge [sflag:s18], $0x1000  }
0x6c: {  	[sflag:s18] =	ssyncset.done $0x0  }
0x6d: {  	[sflag:s18] =	ssyncadd.s32 $0xFFFFF000  }
0x6e: {  	_ =	swait.ge [sflag:s18], $0x1000  }
0x6f: {  	[sflag:s18] =	ssyncset.done $0x0  }
0x70: {  	[sflag:s18] =	ssyncadd.s32 $0xFFFFF000  }
0x71: {  	_ =	swait.ge [sflag:s18], $0x1000  }
0x72: {  	[sflag:s18] =	ssyncset.done $0x0  }
0x73: {  	[sflag:s18] =	ssyncadd.s32 $0xFFFFF000  }
0x74: {  	_ =	swait.ge [sflag:s18], $0x1000  }
0x75: {  	[sflag:s18] =	ssyncset.done $0x0  }
0x76: {  	[sflag:s18] =	ssyncadd.s32 $0xFFFFF000  }
0x77: {  	_ =	swait.ge [sflag:s18], $0x1000  }
0x78: {  	[sflag:s18] =	ssyncset.done $0x0  }
0x79: {  	[sflag:s18] =	ssyncadd.s32 $0xFFFFF000  }
0x7a: {  	_ =	swait.ge [sflag:s18], $0x1000  }
0x7b: {  	[sflag:s18] =	ssyncset.done $0x0  }
0x7c: {  	[sflag:s18] =	ssyncadd.s32 $0xFFFFF000  }
0x7d: {  	_ =	swait.ge [sflag:s18], $0x1000  }
0x7e: {  	[sflag:s18] =	ssyncset.done $0x0  }
0x7f: {  	[sflag:s18] =	ssyncadd.s32 $0xFFFFF000  }
0x80: {  	_ =	swait.ge [sflag:s18], $0x1000  }
0x81: {  	[sflag:s18] =	ssyncset.done $0x0  }
0x82: {  	[sflag:s18] =	ssyncadd.s32 $0xFFFFF000  }
0x83: {  	_ =	swait.ge [sflag:s18], $0x1000  }
0x84: {  	[sflag:s18] =	ssyncset.done $0x0  }
0x85: {  	[sflag:s18] =	ssyncadd.s32 $0xFFFFF000  }
0x86: {  	_ =	swait.ge [sflag:s18], $0x1000  }
0x87: {  	[sflag:s18] =	ssyncset.done $0x0  }
0x88: {  	[sflag:s18] =	ssyncadd.s32 $0xFFFFF000  }
0x89: {  	_ =	swait.ge [sflag:s18], $0x1000  }
0x8a: {  	[sflag:s18] =	ssyncset.done $0x0  }
0x8b: {  	[sflag:s18] =	ssyncadd.s32 $0xFFFFF000  }
0x8c: {  	_ =	swait.ge [sflag:s18], $0x1000  }
0x8d: {  	[sflag:s18] =	ssyncset.done $0x0  }
0x8e: {  	s24 =	simm.s32 $0x16C00;
	[sflag:s18] =	ssyncadd.s32 $0xFFFFF000  }
.LBB2_3:
0x8f: {  	s22 =	sshll.u32 s21, $0x4;
	v0 =	vlaneseq.u32  }
0x90: {  	v0 =	vor.u32 s22, v0  }
0x91: {  	v32 =	vshll.u32 v0, $0x5;
	_ =	sdelay $0x1  }
0x92: {  	v34 =	vor.u32 $0x1, v32  }
0x93: {  	v35 =	vor.u32 $0x2, v32  }
0x94: {  	v36 =	vor.u32 $0x3, v32  }
0x95: {  	v37 =	vor.u32 $0x4, v32;
	v1 =	vld.idx.msk [tilespmem:v32+s15+$0x0], $0xffff  }
0x96: {  	v38 =	vor.u32 $0x5, v32;
	v33 =	vld.idx.msk [tilespmem:v32+s16+$0x0], $0xffff  }
0x97: {  	v39 =	vor.u32 $0x6, v32;
	v2 =	vld.idx.msk [tilespmem:v34+s15+$0x0], $0xffff  }
0x98: {  	v40 =	vor.u32 $0x7, v32;
	v3 =	vld.idx.msk [tilespmem:v35+s15+$0x0], $0xffff  }
0x99: {  	v41 =	vor.u32 $0x8, v32;
	v4 =	vld.idx.msk [tilespmem:v36+s15+$0x0], $0xffff  }
0x9a: {  	v42 =	vor.u32 $0x9, v32;
	v5 =	vld.idx.msk [tilespmem:v37+s15+$0x0], $0xffff  }
0x9b: {  	v43 =	vor.u32 $0xA, v32;
	v6 =	vld.idx.msk [tilespmem:v38+s15+$0x0], $0xffff  }
0x9c: {  	v44 =	vor.u32 $0xB, v32;
	v7 =	vld.idx.msk [tilespmem:v39+s15+$0x0], $0xffff  }
0x9d: {  	v45 =	vor.u32 $0xC, v32;
	v8 =	vld.idx.msk [tilespmem:v40+s15+$0x0], $0xffff  }
0x9e: {  	v46 =	vor.u32 $0xD, v32;
	v9 =	vld.idx.msk [tilespmem:v41+s15+$0x0], $0xffff  }
0x9f: {  	v47 =	vor.u32 $0xE, v32;
	v10 =	vld.idx.msk [tilespmem:v42+s15+$0x0], $0xffff  }
0xa0: {  	v48 =	vor.u32 $0xF, v32;
	v11 =	vld.idx.msk [tilespmem:v43+s15+$0x0], $0xffff  }
0xa1: {  	v49 =	vor.u32 $0x10, v32;
	v12 =	vld.idx.msk [tilespmem:v44+s15+$0x0], $0xffff  }
0xa2: {  	v50 =	vor.u32 $0x11, v32;
	v13 =	vld.idx.msk [tilespmem:v45+s15+$0x0], $0xffff  }
0xa3: {  	v51 =	vor.u32 $0x12, v32;
	v14 =	vld.idx.msk [tilespmem:v46+s15+$0x0], $0xffff  }
0xa4: {  	v52 =	vor.u32 $0x13, v32;
	v15 =	vld.idx.msk [tilespmem:v47+s15+$0x0], $0xffff  }
0xa5: {  	v53 =	vor.u32 $0x14, v32;
	v16 =	vld.idx.msk [tilespmem:v48+s15+$0x0], $0xffff  }
0xa6: {  	v54 =	vor.u32 $0x15, v32;
	v17 =	vld.idx.msk [tilespmem:v49+s15+$0x0], $0xffff  }
0xa7: {  	v55 =	vor.u32 $0x16, v32;
	v18 =	vld.idx.msk [tilespmem:v50+s15+$0x0], $0xffff  }
0xa8: {  	v56 =	vor.u32 $0x17, v32;
	v19 =	vld.idx.msk [tilespmem:v51+s15+$0x0], $0xffff  }
0xa9: {  	v57 =	vor.u32 $0x18, v32;
	v20 =	vld.idx.msk [tilespmem:v52+s15+$0x0], $0xffff  }
0xaa: {  	v58 =	vor.u32 $0x19, v32;
	v21 =	vld.idx.msk [tilespmem:v53+s15+$0x0], $0xffff  }
0xab: {  	v59 =	vor.u32 $0x1A, v32;
	v22 =	vld.idx.msk [tilespmem:v54+s15+$0x0], $0xffff  }
0xac: {  	v60 =	vor.u32 $0x1B, v32;
	v23 =	vld.idx.msk [tilespmem:v55+s15+$0x0], $0xffff  }
0xad: {  	v61 =	vor.u32 $0x1C, v32;
	v24 =	vld.idx.msk [tilespmem:v56+s15+$0x0], $0xffff  }
0xae: {  	v62 =	vor.u32 $0x1D, v32;
	v25 =	vld.idx.msk [tilespmem:v57+s15+$0x0], $0xffff  }
0xaf: {  	v63 =	vor.u32 $0x1E, v32;
	v26 =	vld.idx.msk [tilespmem:v58+s15+$0x0], $0xffff  }
0xb0: {  	v27 =	vld.idx.msk [tilespmem:v59+s15+$0x0], $0xffff  }
0xb1: {  	v28 =	vld.idx.msk [tilespmem:v60+s15+$0x0], $0xffff  }
0xb2: {  	v29 =	vld.idx.msk [tilespmem:v61+s15+$0x0], $0xffff  }
0xb3: {  	v30 =	vld.idx.msk [tilespmem:v62+s15+$0x0], $0xffff  }
0xb4: {  	v31 =	vld.idx.msk [tilespmem:v63+s15+$0x0], $0xffff  }
0xb5: {  	v34 =	vld.idx.msk [tilespmem:v34+s16+$0x0], $0xffff  }
0xb6: {  	v35 =	vld.idx.msk [tilespmem:v35+s16+$0x0], $0xffff  }
0xb7: {  	v36 =	vld.idx.msk [tilespmem:v36+s16+$0x0], $0xffff  }
0xb8: {  	v37 =	vld.idx.msk [tilespmem:v37+s16+$0x0], $0xffff  }
0xb9: {  	v38 =	vld.idx.msk [tilespmem:v38+s16+$0x0], $0xffff  }
0xba: {  	v39 =	vld.idx.msk [tilespmem:v39+s16+$0x0], $0xffff  }
0xbb: {  	v40 =	vld.idx.msk [tilespmem:v40+s16+$0x0], $0xffff  }
0xbc: {  	v41 =	vld.idx.msk [tilespmem:v41+s16+$0x0], $0xffff  }
0xbd: {  	v42 =	vld.idx.msk [tilespmem:v42+s16+$0x0], $0xffff  }
0xbe: {  	v43 =	vld.idx.msk [tilespmem:v43+s16+$0x0], $0xffff  }
0xbf: {  	v44 =	vld.idx.msk [tilespmem:v44+s16+$0x0], $0xffff  }
0xc0: {  	v45 =	vld.idx.msk [tilespmem:v45+s16+$0x0], $0xffff  }
0xc1: {  	[tilespmem:$0x1FFE0] =	vst v0;
	v46 =	vld.idx.msk [tilespmem:v46+s16+$0x0], $0xffff  }
0xc2: {  	v47 =	vld.idx.msk [tilespmem:v47+s16+$0x0], $0xffff;
	[tilespmem:$0x1FDE0] =	vst v1  }
0xc3: {  	v48 =	vld.idx.msk [tilespmem:v48+s16+$0x0], $0xffff;
	[tilespmem:$0x1FE00] =	vst v3  }
0xc4: {  	v49 =	vld.idx.msk [tilespmem:v49+s16+$0x0], $0xffff;
	[tilespmem:$0x1FE10] =	vst v4  }
0xc5: {  	v50 =	vld.idx.msk [tilespmem:v50+s16+$0x0], $0xffff;
	[tilespmem:$0x1FE20] =	vst v5  }
0xc6: {  	v51 =	vld.idx.msk [tilespmem:v51+s16+$0x0], $0xffff;
	[tilespmem:$0x1FE30] =	vst v6  }
0xc7: {  	v52 =	vld.idx.msk [tilespmem:v52+s16+$0x0], $0xffff;
	[tilespmem:$0x1FE40] =	vst v7  }
0xc8: {  	v0 =	vor.u32 $0x1F, v32;
	v53 =	vld.idx.msk [tilespmem:v53+s16+$0x0], $0xffff;
	[tilespmem:$0x1FE50] =	vst v8  }
0xc9: {  	v54 =	vld.idx.msk [tilespmem:v54+s16+$0x0], $0xffff;
	[tilespmem:$0x1FE60] =	vst v9  }
0xca: {  	v55 =	vld.idx.msk [tilespmem:v55+s16+$0x0], $0xffff;
	v33 =	vmul.f32 v33, v1;
	[tilespmem:$0x1FE70] =	vst v10  }
0xcb: {  	v56 =	vld.idx.msk [tilespmem:v56+s16+$0x0], $0xffff;
	v34 =	vmul.f32 v34, v2;
	v35 =	vmul.f32 v35, v3;
	[tilespmem:$0x1FE80] =	vst v11  }
0xcc: {  	v57 =	vld.idx.msk [tilespmem:v57+s16+$0x0], $0xffff;
	v36 =	vmul.f32 v36, v4;
	v37 =	vmul.f32 v37, v5;
	[tilespmem:$0x1FE90] =	vst v12  }
0xcd: {  	v1 =	vld.idx.msk [tilespmem:v0+s15+$0x0], $0xffff;
	v38 =	vmul.f32 v38, v6;
	v39 =	vmul.f32 v39, v7;
	[tilespmem:$0x1FEA0] =	vst v13  }
0xce: {  	v0 =	vld.idx.msk [tilespmem:v0+s16+$0x0], $0xffff;
	v40 =	vmul.f32 v40, v8;
	v3 =	vmul.f32 v41, v9;
	[tilespmem:$0x1FEB0] =	vst v14  }
0xcf: {  	v4 =	vmul.f32 v42, v10;
	v5 =	vld.idx.msk [tilespmem:v58+s16+$0x0], $0xffff;
	v6 =	vmul.f32 v43, v11;
	[tilespmem:$0x1FEC0] =	vst v15  }
0xd0: {  	v7 =	vmul.f32 v44, v12;
	v8 =	vld.idx.msk [tilespmem:v59+s16+$0x0], $0xffff;
	v9 =	vmul.f32 v45, v13;
	[tilespmem:$0x1FED0] =	vst v16  }
0xd1: {  	v10 =	vmul.f32 v46, v14;
	v11 =	vld.idx.msk [tilespmem:v60+s16+$0x0], $0xffff;
	v12 =	vmul.f32 v47, v15;
	[tilespmem:$0x1FEE0] =	vst v17  }
0xd2: {  	v13 =	vmul.f32 v48, v16;
	v14 =	vld.idx.msk [tilespmem:v61+s16+$0x0], $0xffff;
	v15 =	vmul.f32 v49, v17;
	[tilespmem:$0x1FEF0] =	vst v18  }
0xd3: {  	v16 =	vmul.f32 v50, v18;
	v17 =	vld.idx.msk [tilespmem:v62+s16+$0x0], $0xffff;
	[tilespmem:$0x1FF00] =	vst v19;
	v18 =	vmul.f32 v51, v19  }
0xd4: {  	[tilespmem:$0x1FF10] =	vst v20;
	v19 =	vmul.f32 v52, v20;
	v20 =	vld.idx.msk [tilespmem:v63+s16+$0x0], $0xffff;
	v33 =	vadd.f32 v34, v33  }
0xd5: {  	[tilespmem:$0x1FF20] =	vst v21;
	v21 =	vmul.f32 v53, v21;
	v35 =	vadd.f32 v36, v35;
	v37 =	vadd.f32 v38, v37  }
0xd6: {  	[tilespmem:$0x1FF30] =	vst v22;
	v22 =	vmul.f32 v54, v22;
	v39 =	vadd.f32 v40, v39;
	v34 =	vadd.f32 v4, v3  }
0xd7: {  	[tilespmem:$0x1FF40] =	vst v23;
	v23 =	vmul.f32 v55, v23;
	v36 =	vadd.f32 v7, v6;
	v38 =	vadd.f32 v10, v9  }
0xd8: {  	[tilespmem:$0x1FF50] =	vst v24;
	v24 =	vmul.f32 v56, v24;
	v40 =	vadd.f32 v13, v12;
	v41 =	vadd.f32 v16, v15  }
0xd9: {  	v32 =	vmul.f32 v57, v25;
	v43 =	vadd.f32 v19, v18;
	v45 =	vadd.f32 v22, v21  }
0xda: {  	v47 =	vadd.f32 v24, v23;
	v0 =	vmul.f32 v0, v1;
	v33 =	vadd.f32 v35, v33  }
0xdb: {  	v57 =	vadd.f32 v39, v37;
	v42 =	vmul.f32 v5, v26;
	v44 =	vmul.f32 v8, v27  }
0xdc: {  	v34 =	vadd.f32 v36, v34;
	v46 =	vmul.f32 v11, v28;
	v48 =	vmul.f32 v14, v29  }
0xdd: {  	v58 =	vadd.f32 v40, v38;
	v50 =	vmul.f32 v17, v30;
	v55 =	vmul.f32 v20, v31  }
0xde: {  	v42 =	vadd.f32 v42, v32;
	v44 =	vadd.f32 v46, v44  }
0xdf: {  	v56 =	vadd.f32 v50, v48;
	v0 =	vadd.f32 v0, v55  }
0xe0: {  	v59 =	vadd.f32 v43, v41;
	v60 =	vadd.f32 v47, v45  }
0xe1: {  	[tilespmem:$0x1FDF0] =	vst v2;
	v61 =	vadd.f32 v44, v42;
	v0 =	vadd.f32 v0, v56  }
0xe2: {  	[tilespmem:$0x1FF60] =	vst v25;
	v33 =	vadd.f32 v57, v33;
	v34 =	vadd.f32 v58, v34  }
0xe3: {  	[tilespmem:$0x1FF70] =	vst v26;
	v62 =	vadd.f32 v60, v59;
	v0 =	vadd.f32 v0, v61  }
0xe4: {  	[tilespmem:$0x1FF80] =	vst v27;
	v63 =	vld [tilespmem:$0x1FFE0]  }
0xe5: {  	[tilespmem:$0x1FF90] =	vst v28;
	v33 =	vadd.f32 v34, v33;
	v0 =	vadd.f32 v0, v62  }
0xe6: {  	[tilespmem:$0x1FFA0] =	vst v29  }
0xe7: {  	[tilespmem:$0x1FFB0] =	vst v30;
	v0 =	vadd.f32 v0, v33  }
0xe8: {  	[tilespmem:$0x1FFC0] =	vst v31  }
0xe9: {  	[tilespmem:s22+$0x16B00] =	vst v0;
	v0 =	vmul.u32 $0x14, v63  }
0xea: {  	[tilespmem:$0x1FFD0] =	vst v1  }
0xeb: {  	s23 =	simm.s32 $0x3;
	s22 =	smov.u32 s24;
	[tilespmem:$0x1FFF0] =	vst v0  }
.LBB2_4:
0xec: {  	v30 =	vld [tilespmem:$0x1FFF0]  }
0xed: {  	v18 =	vld [tilespmem:$0x1FDE0]  }
0xee: {  	v19 =	vld [tilespmem:$0x1FDF0]  }
0xef: {  	v20 =	vld [tilespmem:$0x1FE00]  }
0xf0: {  	v21 =	vld [tilespmem:$0x1FE10]  }
0xf1: {  	v22 =	vld [tilespmem:$0x1FE20]  }
0xf2: {  	v23 =	vld [tilespmem:$0x1FE30]  }
0xf3: {  	v24 =	vld [tilespmem:$0x1FE40]  }
0xf4: {  	v29 =	vld [tilespmem:$0x1FE50]  }
0xf5: {  	v10 =	vld [tilespmem:$0x1FE60]  }
0xf6: {  	v28 =	vld [tilespmem:$0x1FE70]  }
0xf7: {  	v15 =	vld [tilespmem:$0x1FE80]  }
0xf8: {  	v8 =	vld [tilespmem:$0x1FE90]  }
0xf9: {  	v5 =	vld [tilespmem:$0x1FEA0]  }
0xfa: {  	v11 =	vld [tilespmem:$0x1FEB0]  }
0xfb: {  	v12 =	vld [tilespmem:$0x1FEC0]  }
0xfc: {  	v4 =	vld [tilespmem:$0x1FED0]  }
0xfd: {  	v7 =	vld [tilespmem:$0x1FEE0]  }
0xfe: {  	v6 =	vld [tilespmem:$0x1FEF0]  }
0xff: {  	v3 =	vld [tilespmem:$0x1FF00]  }
0x100: {  	v9 =	vld [tilespmem:$0x1FF10]  }
0x101: {  	v2 =	vld [tilespmem:$0x1FF20]  }
0x102: {  	v31 =	vld [tilespmem:$0x1FF30]  }
0x103: {  	v25 =	vld [tilespmem:$0x1FF40]  }
0x104: {  	s25 =	sadd.s32 $0xFFFFFFFD, s23;
	v26 =	vld [tilespmem:$0x1FF50]  }
0x105: {  	v27 =	vld [tilespmem:$0x1FF60];
	v0 =	vadd.s32 s25, v30  }
0x106: {  	v33 =	vld [tilespmem:$0x1FF70];
	v0 =	vshll.u32 v0, $0x5  }
0x107: {  	v14 =	vld [tilespmem:$0x1FF80];
	v34 =	vor.u32 $0x1, v0  }
0x108: {  	v16 =	vld [tilespmem:$0x1FF90];
	v35 =	vor.u32 $0x2, v0  }
0x109: {  	v17 =	vld [tilespmem:$0x1FFA0];
	v36 =	vor.u32 $0x3, v0  }
0x10a: {  	v32 =	vld [tilespmem:$0x1FFD0];
	v37 =	vor.u32 $0x4, v0  }
0x10b: {  	v39 =	vor.u32 $0x5, v0;
	v38 =	vld.idx.msk [tilespmem:v0+s17+$0x0], $0xffff  }
0x10c: {  	v40 =	vor.u32 $0x6, v0;
	v34 =	vld.idx.msk [tilespmem:v34+s17+$0x0], $0xffff  }
0x10d: {  	v41 =	vor.u32 $0x7, v0;
	v35 =	vld.idx.msk [tilespmem:v35+s17+$0x0], $0xffff  }
0x10e: {  	v42 =	vor.u32 $0x8, v0;
	v36 =	vld.idx.msk [tilespmem:v36+s17+$0x0], $0xffff  }
0x10f: {  	v43 =	vor.u32 $0x9, v0;
	v37 =	vld.idx.msk [tilespmem:v37+s17+$0x0], $0xffff  }
0x110: {  	v44 =	vor.u32 $0xA, v0;
	v39 =	vld.idx.msk [tilespmem:v39+s17+$0x0], $0xffff  }
0x111: {  	v45 =	vor.u32 $0xB, v0;
	v40 =	vld.idx.msk [tilespmem:v40+s17+$0x0], $0xffff  }
0x112: {  	v46 =	vor.u32 $0xC, v0;
	v41 =	vld.idx.msk [tilespmem:v41+s17+$0x0], $0xffff  }
0x113: {  	v47 =	vor.u32 $0xD, v0;
	v42 =	vld.idx.msk [tilespmem:v42+s17+$0x0], $0xffff  }
0x114: {  	v48 =	vor.u32 $0xE, v0;
	v43 =	vld.idx.msk [tilespmem:v43+s17+$0x0], $0xffff  }
0x115: {  	v49 =	vor.u32 $0xF, v0;
	v44 =	vld.idx.msk [tilespmem:v44+s17+$0x0], $0xffff  }
0x116: {  	v50 =	vor.u32 $0x10, v0;
	v45 =	vld.idx.msk [tilespmem:v45+s17+$0x0], $0xffff  }
0x117: {  	v51 =	vor.u32 $0x11, v0;
	v46 =	vld.idx.msk [tilespmem:v46+s17+$0x0], $0xffff  }
0x118: {  	v52 =	vor.u32 $0x12, v0;
	v47 =	vld.idx.msk [tilespmem:v47+s17+$0x0], $0xffff  }
0x119: {  	v53 =	vor.u32 $0x13, v0;
	v48 =	vld.idx.msk [tilespmem:v48+s17+$0x0], $0xffff  }
0x11a: {  	v54 =	vor.u32 $0x14, v0;
	v49 =	vld.idx.msk [tilespmem:v49+s17+$0x0], $0xffff  }
0x11b: {  	v55 =	vor.u32 $0x15, v0;
	v50 =	vld.idx.msk [tilespmem:v50+s17+$0x0], $0xffff  }
0x11c: {  	v56 =	vor.u32 $0x16, v0;
	v51 =	vld.idx.msk [tilespmem:v51+s17+$0x0], $0xffff  }
0x11d: {  	v57 =	vor.u32 $0x17, v0;
	v52 =	vld.idx.msk [tilespmem:v52+s17+$0x0], $0xffff  }
0x11e: {  	v58 =	vor.u32 $0x18, v0;
	v53 =	vld.idx.msk [tilespmem:v53+s17+$0x0], $0xffff;
	v38 =	vmul.f32 v38, v18  }
0x11f: {  	v59 =	vor.u32 $0x19, v0;
	v54 =	vld.idx.msk [tilespmem:v54+s17+$0x0], $0xffff;
	v34 =	vmul.f32 v34, v19;
	v35 =	vmul.f32 v35, v20  }
0x120: {  	v60 =	vor.u32 $0x1A, v0;
	v55 =	vld.idx.msk [tilespmem:v55+s17+$0x0], $0xffff;
	v36 =	vmul.f32 v36, v21;
	v37 =	vmul.f32 v37, v22  }
0x121: {  	v61 =	vor.u32 $0x1B, v0;
	v56 =	vld.idx.msk [tilespmem:v56+s17+$0x0], $0xffff;
	v39 =	vmul.f32 v39, v23;
	v40 =	vmul.f32 v40, v24  }
0x122: {  	v62 =	vor.u32 $0x1C, v0;
	v57 =	vld.idx.msk [tilespmem:v57+s17+$0x0], $0xffff;
	v41 =	vmul.f32 v41, v29;
	v42 =	vmul.f32 v42, v10  }
0x123: {  	v63 =	vor.u32 $0x1D, v0;
	v58 =	vld.idx.msk [tilespmem:v58+s17+$0x0], $0xffff;
	v43 =	vmul.f32 v43, v28;
	v44 =	vmul.f32 v44, v15  }
0x124: {  	v1 =	vor.u32 $0x1E, v0;
	v59 =	vld.idx.msk [tilespmem:v59+s17+$0x0], $0xffff;
	v45 =	vmul.f32 v45, v8;
	v46 =	vmul.f32 v46, v5  }
0x125: {  	v0 =	vor.u32 $0x1F, v0;
	v60 =	vld.idx.msk [tilespmem:v60+s17+$0x0], $0xffff;
	v47 =	vmul.f32 v47, v11;
	v48 =	vmul.f32 v48, v12  }
0x126: {  	v61 =	vld.idx.msk [tilespmem:v61+s17+$0x0], $0xffff;
	v49 =	vmul.f32 v49, v4;
	v50 =	vmul.f32 v50, v7  }
0x127: {  	v62 =	vld.idx.msk [tilespmem:v62+s17+$0x0], $0xffff;
	v51 =	vmul.f32 v51, v6;
	v52 =	vmul.f32 v52, v3  }
0x128: {  	v63 =	vld.idx.msk [tilespmem:v63+s17+$0x0], $0xffff;
	v53 =	vmul.f32 v53, v9;
	v54 =	vmul.f32 v54, v2  }
0x129: {  	v1 =	vld.idx.msk [tilespmem:v1+s17+$0x0], $0xffff;
	v56 =	vmul.f32 v56, v25;
	v57 =	vmul.f32 v57, v26;
	v34 =	vadd.f32 v34, v38  }
0x12a: {  	v0 =	vld.idx.msk [tilespmem:v0+s17+$0x0], $0xffff;
	v58 =	vmul.f32 v58, v27;
	v35 =	vadd.f32 v36, v35;
	v37 =	vadd.f32 v39, v37  }
0x12b: {  	v59 =	vmul.f32 v59, v33;
	v33 =	vld [tilespmem:$0x1FFB0];
	v38 =	vadd.f32 v41, v40;
	v40 =	vadd.f32 v43, v42  }
0x12c: {  	v60 =	vmul.f32 v60, v14;
	v41 =	vadd.f32 v45, v44;
	v44 =	vadd.f32 v49, v48;
	v49 =	vld [tilespmem:$0x1FFC0]  }
0x12d: {  	v36 =	vmul.f32 v61, v16;
	v43 =	vadd.f32 v47, v46;
	v61 =	vadd.f32 v51, v50  }
0x12e: {  	v39 =	vmul.f32 v62, v17;
	v62 =	vadd.f32 v53, v52;
	v13 =	vadd.f32 v57, v56  }
0x12f: {  	v55 =	vmul.f32 v55, v31;
	v52 =	vadd.f32 v59, v58;
	v36 =	vadd.f32 v36, v60  }
0x130: {  	v0 =	vmul.f32 v0, v32;
	v53 =	vadd.f32 v35, v34;
	v56 =	vadd.f32 v44, v43  }
0x131: {  	v57 =	vadd.f32 v62, v61;
	v42 =	vmul.f32 v63, v33;
	v1 =	vmul.f32 v1, v49  }
0x132: {  	v63 =	vadd.f32 v55, v54;
	v54 =	vadd.f32 v38, v37  }
0x133: {  	v39 =	vadd.f32 v42, v39;
	v0 =	vadd.f32 v0, v1  }
0x134: {  	v55 =	vadd.f32 v41, v40;
	v36 =	vadd.f32 v36, v52  }
0x135: {  	v58 =	vadd.f32 v13, v63;
	v0 =	vadd.f32 v0, v39  }
0x136: {  	v59 =	vadd.f32 v56, v55;
	v1 =	vadd.f32 v54, v53  }
0x137: {  	v60 =	vadd.f32 v58, v57;
	v0 =	vadd.f32 v0, v36;
	_ =	sdelay $0x1  }
0x138: {  	s25 =	sadd.s32 $0xFFFFFFFE, s23;
	v1 =	vadd.f32 v59, v1;
	v0 =	vadd.f32 v0, v60  }
0x139: {  	v61 =	vadd.s32 s25, v30  }
0x13a: {  	v0 =	vadd.f32 v0, v1;
	v1 =	vshll.u32 v61, $0x5  }
0x13b: {  	v34 =	vor.u32 $0x1, v1  }
0x13c: {  	v62 =	vor.u32 $0x2, v1;
	v0 =	vsub.f32 $0.0e+00, v0  }
0x13d: {  	v63 =	vor.u32 $0x3, v1  }
0x13e: {  	v13 =	vor.u32 $0x4, v1;
	[tilespmem:s22+$0xFFFFFF80] =	vst v0  }
0x13f: {  	v2 =	vmov v30;
	v47 =	vor.u32 $0x5, v1;
	v30 =	vld.idx.msk [tilespmem:v1+s17+$0x0], $0xffff  }
0x140: {  	v48 =	vor.u32 $0x6, v1;
	v34 =	vld.idx.msk [tilespmem:v34+s17+$0x0], $0xffff  }
0x141: {  	v49 =	vor.u32 $0x7, v1;
	v35 =	vld.idx.msk [tilespmem:v62+s17+$0x0], $0xffff  }
0x142: {  	v50 =	vor.u32 $0x8, v1;
	v36 =	vld.idx.msk [tilespmem:v63+s17+$0x0], $0xffff  }
0x143: {  	v51 =	vor.u32 $0x9, v1;
	v0 =	vld.idx.msk [tilespmem:v13+s17+$0x0], $0xffff  }
0x144: {  	v52 =	vor.u32 $0xA, v1;
	v38 =	vld.idx.msk [tilespmem:v47+s17+$0x0], $0xffff  }
0x145: {  	v53 =	vor.u32 $0xB, v1;
	v39 =	vld.idx.msk [tilespmem:v48+s17+$0x0], $0xffff  }
0x146: {  	v54 =	vor.u32 $0xC, v1;
	v40 =	vld.idx.msk [tilespmem:v49+s17+$0x0], $0xffff  }
0x147: {  	v55 =	vor.u32 $0xD, v1;
	v41 =	vld.idx.msk [tilespmem:v50+s17+$0x0], $0xffff  }
0x148: {  	v56 =	vor.u32 $0xE, v1;
	v42 =	vld.idx.msk [tilespmem:v51+s17+$0x0], $0xffff  }
0x149: {  	v57 =	vor.u32 $0xF, v1;
	v43 =	vld.idx.msk [tilespmem:v52+s17+$0x0], $0xffff  }
0x14a: {  	v58 =	vor.u32 $0x10, v1;
	v44 =	vld.idx.msk [tilespmem:v53+s17+$0x0], $0xffff  }
0x14b: {  	v59 =	vor.u32 $0x11, v1;
	v45 =	vld.idx.msk [tilespmem:v54+s17+$0x0], $0xffff  }
0x14c: {  	v60 =	vor.u32 $0x12, v1;
	v46 =	vld.idx.msk [tilespmem:v55+s17+$0x0], $0xffff  }
0x14d: {  	v61 =	vor.u32 $0x13, v1;
	v47 =	vld.idx.msk [tilespmem:v56+s17+$0x0], $0xffff  }
0x14e: {  	v48 =	vld.idx.msk [tilespmem:v57+s17+$0x0], $0xffff;
	v62 =	vor.u32 $0x14, v1  }
0x14f: {  	v49 =	vld.idx.msk [tilespmem:v58+s17+$0x0], $0xffff;
	v63 =	vor.u32 $0x15, v1  }
0x150: {  	v50 =	vld.idx.msk [tilespmem:v59+s17+$0x0], $0xffff;
	v13 =	vor.u32 $0x16, v1  }
0x151: {  	v51 =	vld.idx.msk [tilespmem:v60+s17+$0x0], $0xffff;
	v56 =	vor.u32 $0x17, v1  }
0x152: {  	v52 =	vld.idx.msk [tilespmem:v61+s17+$0x0], $0xffff;
	v57 =	vor.u32 $0x18, v1  }
0x153: {  	v59 =	vor.u32 $0x1A, v1;
	v53 =	vld.idx.msk [tilespmem:v62+s17+$0x0], $0xffff  }
0x154: {  	v60 =	vor.u32 $0x1B, v1;
	v37 =	vmul.f32 v30, v18;
	v54 =	vld.idx.msk [tilespmem:v63+s17+$0x0], $0xffff  }
0x155: {  	v30 =	vor.u32 $0x19, v1;
	v34 =	vmul.f32 v34, v19;
	v35 =	vmul.f32 v35, v20;
	v55 =	vld.idx.msk [tilespmem:v13+s17+$0x0], $0xffff  }
0x156: {  	v36 =	vmul.f32 v36, v21;
	v0 =	vmul.f32 v0, v22;
	v56 =	vld.idx.msk [tilespmem:v56+s17+$0x0], $0xffff  }
0x157: {  	v61 =	vor.u32 $0x1C, v1;
	v38 =	vmul.f32 v38, v23;
	v39 =	vmul.f32 v39, v24;
	v57 =	vld.idx.msk [tilespmem:v57+s17+$0x0], $0xffff  }
0x158: {  	v40 =	vmul.f32 v40, v29;
	v44 =	vmul.f32 v44, v8;
	v13 =	vmovc v8;
	v8 =	vor.u32 $0x1D, v1;
	v59 =	vld.idx.msk [tilespmem:v59+s17+$0x0], $0xffff  }
0x159: {  	v41 =	vmul.f32 v41, v10;
	v42 =	vmul.f32 v42, v28;
	v60 =	vld.idx.msk [tilespmem:v60+s17+$0x0], $0xffff  }
0x15a: {  	v43 =	vmul.f32 v43, v15;
	v45 =	vmul.f32 v45, v5;
	v58 =	vld.idx.msk [tilespmem:v30+s17+$0x0], $0xffff;
	v30 =	vor.u32 $0x1E, v1  }
0x15b: {  	v46 =	vmul.f32 v46, v11;
	v5 =	vmovc v4;
	v48 =	vmul.f32 v48, v4;
	v4 =	vld [tilespmem:$0x1FF20];
	v1 =	vor.u32 $0x1F, v1  }
0x15c: {  	v47 =	vmul.f32 v47, v12;
	v49 =	vmul.f32 v49, v7;
	v61 =	vld.idx.msk [tilespmem:v61+s17+$0x0], $0xffff;
	v34 =	vadd.f32 v34, v37  }
0x15d: {  	v51 =	vmul.f32 v51, v3;
	v35 =	vadd.f32 v36, v35;
	v0 =	vadd.f32 v38, v0;
	v62 =	vld.idx.msk [tilespmem:v8+s17+$0x0], $0xffff  }
0x15e: {  	v52 =	vmul.f32 v52, v9;
	v37 =	vadd.f32 v40, v39;
	v39 =	vadd.f32 v42, v41;
	v8 =	vld [tilespmem:$0x1FF70]  }
0x15f: {  	v50 =	vmul.f32 v50, v6;
	v40 =	vadd.f32 v44, v43;
	v42 =	vadd.f32 v46, v45;
	v63 =	vld.idx.msk [tilespmem:v30+s17+$0x0], $0xffff  }
0x160: {  	v52 =	vadd.f32 v52, v51;
	v53 =	vmul.f32 v53, v4;
	v54 =	vmul.f32 v54, v31;
	v1 =	vld.idx.msk [tilespmem:v1+s17+$0x0], $0xffff  }
0x161: {  	v34 =	vadd.f32 v35, v34;
	v55 =	vmul.f32 v55, v25;
	v56 =	vmul.f32 v56, v26;
	v30 =	vld [tilespmem:$0x1FFC0]  }
0x162: {  	v0 =	vadd.f32 v37, v0;
	v57 =	vmul.f32 v57, v27;
	v59 =	vmul.f32 v59, v14  }
0x163: {  	v3 =	vmovc v31;
	v36 =	vmul.f32 v60, v16;
	v38 =	vmul.f32 v61, v17;
	v31 =	vadd.f32 v50, v49  }
0x164: {  	v54 =	vadd.f32 v54, v53;
	v56 =	vadd.f32 v56, v55;
	v58 =	vmul.f32 v58, v8  }
0x165: {  	v36 =	vadd.f32 v36, v59;
	v61 =	vmul.f32 v62, v33;
	v62 =	vadd.f32 v48, v47  }
0x166: {  	v60 =	vadd.f32 v58, v57;
	v63 =	vmul.f32 v63, v30;
	v1 =	vmul.f32 v1, v32  }
0x167: {  	v38 =	vadd.f32 v61, v38;
	v61 =	vadd.f32 v40, v39  }
0x168: {  	v62 =	vadd.f32 v62, v42;
	v1 =	vadd.f32 v1, v63  }
0x169: {  	v36 =	vadd.f32 v36, v60;
	v63 =	vadd.f32 v52, v31  }
0x16a: {  	v31 =	vadd.f32 v56, v54;
	v1 =	vadd.f32 v1, v38  }
0x16b: {  	v0 =	vadd.f32 v0, v34;
	v44 =	vadd.f32 v62, v61  }
0x16c: {  	v45 =	vadd.f32 v31, v63;
	v1 =	vadd.f32 v1, v36;
	_ =	sdelay $0x1  }
0x16d: {  	s25 =	sadd.s32 $0xFFFFFFFF, s23;
	v0 =	vadd.f32 v44, v0;
	v1 =	vadd.f32 v1, v45  }
0x16e: {  	v46 =	vadd.s32 s25, v2  }
0x16f: {  	v0 =	vadd.f32 v1, v0;
	v1 =	vshll.u32 v46, $0x5  }
0x170: {  	v34 =	vor.u32 $0x1, v1  }
0x171: {  	v47 =	vor.u32 $0x2, v1;
	v0 =	vsub.f32 $0.0e+00, v0  }
0x172: {  	v48 =	vor.u32 $0x3, v1  }
0x173: {  	v49 =	vor.u32 $0x4, v1;
	[tilespmem:s22+$0x0] =	vst v0  }
0x174: {  	v50 =	vor.u32 $0x5, v1;
	v37 =	vld.idx.msk [tilespmem:v1+s17+$0x0], $0xffff  }
0x175: {  	v51 =	vor.u32 $0x6, v1;
	v34 =	vld.idx.msk [tilespmem:v34+s17+$0x0], $0xffff  }
0x176: {  	v52 =	vor.u32 $0x7, v1;
	v35 =	vld.idx.msk [tilespmem:v47+s17+$0x0], $0xffff  }
0x177: {  	v53 =	vor.u32 $0x8, v1;
	v36 =	vld.idx.msk [tilespmem:v48+s17+$0x0], $0xffff  }
0x178: {  	v54 =	vor.u32 $0x9, v1;
	v0 =	vld.idx.msk [tilespmem:v49+s17+$0x0], $0xffff  }
0x179: {  	v55 =	vor.u32 $0xA, v1;
	v38 =	vld.idx.msk [tilespmem:v50+s17+$0x0], $0xffff  }
0x17a: {  	v56 =	vor.u32 $0xB, v1;
	v39 =	vld.idx.msk [tilespmem:v51+s17+$0x0], $0xffff  }
0x17b: {  	v57 =	vor.u32 $0xC, v1;
	v40 =	vld.idx.msk [tilespmem:v52+s17+$0x0], $0xffff  }
0x17c: {  	v58 =	vor.u32 $0xD, v1;
	v41 =	vld.idx.msk [tilespmem:v53+s17+$0x0], $0xffff  }
0x17d: {  	v59 =	vor.u32 $0xE, v1;
	v42 =	vld.idx.msk [tilespmem:v54+s17+$0x0], $0xffff  }
0x17e: {  	v60 =	vor.u32 $0xF, v1;
	v43 =	vld.idx.msk [tilespmem:v55+s17+$0x0], $0xffff  }
0x17f: {  	v61 =	vor.u32 $0x10, v1;
	v44 =	vld.idx.msk [tilespmem:v56+s17+$0x0], $0xffff  }
0x180: {  	v62 =	vor.u32 $0x11, v1;
	v45 =	vld.idx.msk [tilespmem:v57+s17+$0x0], $0xffff  }
0x181: {  	v63 =	vor.u32 $0x12, v1;
	v46 =	vld.idx.msk [tilespmem:v58+s17+$0x0], $0xffff  }
0x182: {  	v31 =	vor.u32 $0x13, v1;
	v47 =	vld.idx.msk [tilespmem:v59+s17+$0x0], $0xffff  }
0x183: {  	v48 =	vld.idx.msk [tilespmem:v60+s17+$0x0], $0xffff;
	v60 =	vor.u32 $0x14, v1  }
0x184: {  	v49 =	vld.idx.msk [tilespmem:v61+s17+$0x0], $0xffff;
	v61 =	vor.u32 $0x15, v1  }
0x185: {  	v50 =	vld.idx.msk [tilespmem:v62+s17+$0x0], $0xffff;
	v62 =	vor.u32 $0x16, v1  }
0x186: {  	v51 =	vld.idx.msk [tilespmem:v63+s17+$0x0], $0xffff;
	v56 =	vor.u32 $0x17, v1  }
0x187: {  	v52 =	vld.idx.msk [tilespmem:v31+s17+$0x0], $0xffff  }
0x188: {  	v57 =	vor.u32 $0x18, v1;
	v37 =	vmul.f32 v37, v18;
	v34 =	vmul.f32 v34, v19;
	v53 =	vld.idx.msk [tilespmem:v60+s17+$0x0], $0xffff  }
0x189: {  	v35 =	vmul.f32 v35, v20;
	v36 =	vmul.f32 v36, v21;
	v54 =	vld.idx.msk [tilespmem:v61+s17+$0x0], $0xffff  }
0x18a: {  	v58 =	vor.u32 $0x19, v1;
	v0 =	vmul.f32 v0, v22;
	v38 =	vmul.f32 v38, v23;
	v55 =	vld.idx.msk [tilespmem:v62+s17+$0x0], $0xffff  }
0x18b: {  	v59 =	vor.u32 $0x1A, v1;
	v39 =	vmul.f32 v39, v24;
	v40 =	vmul.f32 v40, v29;
	v56 =	vld.idx.msk [tilespmem:v56+s17+$0x0], $0xffff  }
0x18c: {  	v63 =	vor.u32 $0x1E, v1;
	v18 =	vmovc v10;
	v41 =	vmul.f32 v41, v10;
	v42 =	vmul.f32 v42, v28;
	v10 =	vld [tilespmem:$0x1FEA0]  }
0x18d: {  	v60 =	vor.u32 $0x1B, v1;
	v43 =	vmul.f32 v43, v15;
	v44 =	vmul.f32 v44, v13;
	v57 =	vld.idx.msk [tilespmem:v57+s17+$0x0], $0xffff  }
0x18e: {  	v31 =	vmovc v29;
	v61 =	vor.u32 $0x1C, v1;
	v46 =	vmul.f32 v46, v11;
	v49 =	vmul.f32 v49, v7;
	v29 =	vmovc v7;
	v7 =	vld [tilespmem:$0x1FF00]  }
0x18f: {  	v62 =	vor.u32 $0x1D, v1;
	v47 =	vmul.f32 v47, v12;
	v58 =	vld.idx.msk [tilespmem:v58+s17+$0x0], $0xffff;
	v48 =	vmul.f32 v48, v5  }
0x190: {  	v59 =	vld.idx.msk [tilespmem:v59+s17+$0x0], $0xffff;
	v1 =	vor.u32 $0x1F, v1;
	v34 =	vadd.f32 v34, v37;
	v35 =	vadd.f32 v36, v35  }
0x191: {  	v50 =	vmul.f32 v50, v6;
	v63 =	vld.idx.msk [tilespmem:v63+s17+$0x0], $0xffff;
	v0 =	vadd.f32 v38, v0;
	v38 =	vadd.f32 v40, v39  }
0x192: {  	v52 =	vmul.f32 v52, v9;
	v40 =	vadd.f32 v42, v41;
	v41 =	vadd.f32 v44, v43;
	v60 =	vld.idx.msk [tilespmem:v60+s17+$0x0], $0xffff  }
0x193: {  	v44 =	vadd.f32 v48, v47;
	v45 =	vmul.f32 v45, v10;
	v51 =	vmul.f32 v51, v7;
	v61 =	vld.idx.msk [tilespmem:v61+s17+$0x0], $0xffff  }
0x194: {  	v34 =	vadd.f32 v35, v34;
	v53 =	vmul.f32 v53, v4;
	v54 =	vmul.f32 v54, v3;
	v62 =	vld.idx.msk [tilespmem:v62+s17+$0x0], $0xffff  }
0x195: {  	v0 =	vadd.f32 v38, v0;
	v55 =	vmul.f32 v55, v25;
	v37 =	vmul.f32 v56, v26;
	v1 =	vld.idx.msk [tilespmem:v1+s17+$0x0], $0xffff  }
0x196: {  	v56 =	vmul.f32 v57, v27;
	v36 =	vmul.f32 v58, v8;
	v43 =	vadd.f32 v46, v45  }
0x197: {  	v58 =	vmul.f32 v59, v14;
	v57 =	vadd.f32 v54, v53;
	v37 =	vadd.f32 v37, v55  }
0x198: {  	v52 =	vadd.f32 v52, v51;
	v36 =	vadd.f32 v36, v56;
	v60 =	vmul.f32 v60, v16  }
0x199: {  	v37 =	vadd.f32 v37, v57;
	v39 =	vmul.f32 v61, v17;
	v61 =	vmul.f32 v62, v33  }
0x19a: {  	v62 =	vmul.f32 v63, v30;
	v63 =	vadd.f32 v50, v49;
	v1 =	vmul.f32 v1, v32  }
0x19b: {  	v60 =	vadd.f32 v60, v58;
	v39 =	vadd.f32 v61, v39  }
0x19c: {  	v1 =	vadd.f32 v1, v62;
	v61 =	vadd.f32 v41, v40  }
0x19d: {  	v62 =	vadd.f32 v44, v43;
	v63 =	vadd.f32 v52, v63  }
0x19e: {  	v36 =	vadd.f32 v60, v36;
	v1 =	vadd.f32 v1, v39  }
0x19f: {  	v0 =	vadd.f32 v0, v34;
	v44 =	vadd.f32 v62, v61  }
0x1a0: {  	v45 =	vadd.f32 v37, v63;
	v1 =	vadd.f32 v1, v36;
	_ =	sdelay $0x1  }
0x1a1: {  	v0 =	vadd.f32 v44, v0;
	v1 =	vadd.f32 v1, v45  }
0x1a2: {  	v46 =	vadd.s32 s23, v2  }
0x1a3: {  	v0 =	vadd.f32 v1, v0;
	v1 =	vshll.u32 v46, $0x5  }
0x1a4: {  	v34 =	vor.u32 $0x1, v1  }
0x1a5: {  	v47 =	vor.u32 $0x2, v1;
	v0 =	vsub.f32 $0.0e+00, v0  }
0x1a6: {  	v48 =	vor.u32 $0x3, v1  }
0x1a7: {  	v49 =	vor.u32 $0x4, v1;
	[tilespmem:s22+$0x80] =	vst v0  }
0x1a8: {  	v50 =	vor.u32 $0x5, v1;
	v37 =	vld.idx.msk [tilespmem:v1+s17+$0x0], $0xffff  }
0x1a9: {  	v51 =	vor.u32 $0x6, v1;
	v34 =	vld.idx.msk [tilespmem:v34+s17+$0x0], $0xffff  }
0x1aa: {  	v52 =	vor.u32 $0x7, v1;
	v35 =	vld.idx.msk [tilespmem:v47+s17+$0x0], $0xffff  }
0x1ab: {  	v53 =	vor.u32 $0x8, v1;
	v36 =	vld.idx.msk [tilespmem:v48+s17+$0x0], $0xffff  }
0x1ac: {  	v54 =	vor.u32 $0x9, v1;
	v0 =	vld.idx.msk [tilespmem:v49+s17+$0x0], $0xffff  }
0x1ad: {  	v55 =	vor.u32 $0xA, v1;
	v38 =	vld.idx.msk [tilespmem:v50+s17+$0x0], $0xffff  }
0x1ae: {  	v56 =	vor.u32 $0xB, v1;
	v39 =	vld.idx.msk [tilespmem:v51+s17+$0x0], $0xffff  }
0x1af: {  	v57 =	vor.u32 $0xC, v1;
	v40 =	vld.idx.msk [tilespmem:v52+s17+$0x0], $0xffff  }
0x1b0: {  	v63 =	vor.u32 $0x12, v1;
	v41 =	vld.idx.msk [tilespmem:v53+s17+$0x0], $0xffff  }
0x1b1: {  	v42 =	vld.idx.msk [tilespmem:v54+s17+$0x0], $0xffff  }
0x1b2: {  	v58 =	vor.u32 $0xD, v1;
	v43 =	vld.idx.msk [tilespmem:v55+s17+$0x0], $0xffff  }
0x1b3: {  	v60 =	vor.u32 $0xF, v1;
	v44 =	vld.idx.msk [tilespmem:v56+s17+$0x0], $0xffff  }
0x1b4: {  	v61 =	vor.u32 $0x10, v1;
	v45 =	vld.idx.msk [tilespmem:v57+s17+$0x0], $0xffff  }
0x1b5: {  	v62 =	vor.u32 $0x11, v1;
	v51 =	vld.idx.msk [tilespmem:v63+s17+$0x0], $0xffff  }
0x1b6: {  	v59 =	vor.u32 $0xE, v1;
	v63 =	vld [tilespmem:$0x1FDE0]  }
0x1b7: {  	v2 =	vor.u32 $0x13, v1;
	v46 =	vld.idx.msk [tilespmem:v58+s17+$0x0], $0xffff  }
0x1b8: {  	v48 =	vld.idx.msk [tilespmem:v60+s17+$0x0], $0xffff;
	v60 =	vor.u32 $0x14, v1  }
0x1b9: {  	v49 =	vld.idx.msk [tilespmem:v61+s17+$0x0], $0xffff;
	v61 =	vor.u32 $0x15, v1  }
0x1ba: {  	v50 =	vld.idx.msk [tilespmem:v62+s17+$0x0], $0xffff;
	v62 =	vor.u32 $0x16, v1  }
0x1bb: {  	v47 =	vld.idx.msk [tilespmem:v59+s17+$0x0], $0xffff;
	v56 =	vor.u32 $0x17, v1;
	v57 =	vor.u32 $0x18, v1;
	v37 =	vmul.f32 v37, v63  }
0x1bc: {  	v52 =	vld.idx.msk [tilespmem:v2+s17+$0x0], $0xffff;
	v34 =	vmul.f32 v34, v19;
	v19 =	vor.u32 $0x19, v1;
	v35 =	vmul.f32 v35, v20  }
0x1bd: {  	v53 =	vld.idx.msk [tilespmem:v60+s17+$0x0], $0xffff;
	v36 =	vmul.f32 v36, v21;
	v21 =	vor.u32 $0x1A, v1;
	v0 =	vmul.f32 v0, v22  }
0x1be: {  	v54 =	vld.idx.msk [tilespmem:v61+s17+$0x0], $0xffff;
	v38 =	vmul.f32 v38, v23;
	v23 =	vor.u32 $0x1B, v1;
	v39 =	vmul.f32 v39, v24  }
0x1bf: {  	v55 =	vld.idx.msk [tilespmem:v62+s17+$0x0], $0xffff;
	v40 =	vmul.f32 v40, v31;
	v31 =	vor.u32 $0x1C, v1;
	v41 =	vmul.f32 v41, v18  }
0x1c0: {  	v56 =	vld.idx.msk [tilespmem:v56+s17+$0x0], $0xffff;
	v62 =	vor.u32 $0x1D, v1;
	v42 =	vmul.f32 v42, v28;
	v43 =	vmul.f32 v43, v15  }
0x1c1: {  	v57 =	vld.idx.msk [tilespmem:v57+s17+$0x0], $0xffff;
	v63 =	vor.u32 $0x1E, v1;
	v44 =	vmul.f32 v44, v13;
	v2 =	vmul.f32 v45, v10  }
0x1c2: {  	v1 =	vor.u32 $0x1F, v1;
	v10 =	vmul.f32 v46, v11;
	v13 =	vmul.f32 v47, v12;
	v58 =	vld.idx.msk [tilespmem:v19+s17+$0x0], $0xffff  }
0x1c3: {  	v15 =	vmul.f32 v48, v5;
	v34 =	vadd.f32 v34, v37;
	v35 =	vadd.f32 v36, v35;
	v59 =	vld.idx.msk [tilespmem:v21+s17+$0x0], $0xffff  }
0x1c4: {  	v20 =	vmul.f32 v50, v6;
	v0 =	vadd.f32 v38, v0;
	v39 =	vadd.f32 v40, v39;
	v11 =	vld.idx.msk [tilespmem:v23+s17+$0x0], $0xffff  }
0x1c5: {  	v22 =	vmul.f32 v52, v9;
	v41 =	vadd.f32 v42, v41;
	v43 =	vadd.f32 v44, v43;
	v18 =	vld.idx.msk [tilespmem:v31+s17+$0x0], $0xffff  }
0x1c6: {  	v38 =	vadd.f32 v10, v2;
	v40 =	vadd.f32 v15, v13;
	v19 =	vmul.f32 v49, v29;
	v37 =	vld.idx.msk [tilespmem:v62+s17+$0x0], $0xffff  }
0x1c7: {  	v34 =	vadd.f32 v35, v34;
	v21 =	vmul.f32 v51, v7;
	v36 =	vld.idx.msk [tilespmem:v63+s17+$0x0], $0xffff;
	v23 =	vmul.f32 v53, v4  }
0x1c8: {  	v0 =	vadd.f32 v39, v0;
	v24 =	vmul.f32 v54, v3;
	v1 =	vld.idx.msk [tilespmem:v1+s17+$0x0], $0xffff;
	v25 =	vmul.f32 v55, v25  }
0x1c9: {  	v28 =	vmul.f32 v56, v26;
	v29 =	vmul.f32 v57, v27;
	v57 =	vadd.f32 v43, v41  }
0x1ca: {  	v42 =	vadd.f32 v20, v19;
	v45 =	vadd.f32 v24, v23;
	v31 =	vmul.f32 v58, v8  }
0x1cb: {  	v47 =	vadd.f32 v28, v25;
	v56 =	vmul.f32 v59, v14;
	v46 =	vmul.f32 v11, v16  }
0x1cc: {  	v44 =	vadd.f32 v22, v21;
	v48 =	vmul.f32 v18, v17;
	v37 =	vmul.f32 v37, v33  }
0x1cd: {  	v60 =	vadd.f32 v47, v45;
	v36 =	vmul.f32 v36, v30;
	v1 =	vmul.f32 v1, v32  }
0x1ce: {  	v49 =	vadd.f32 v31, v29;
	v46 =	vadd.f32 v46, v56  }
0x1cf: {  	v37 =	vadd.f32 v37, v48;
	v1 =	vadd.f32 v1, v36  }
0x1d0: {  	v58 =	vadd.f32 v40, v38;
	v59 =	vadd.f32 v44, v42  }
0x1d1: {  	v61 =	vadd.f32 v46, v49;
	v1 =	vadd.f32 v1, v37  }
0x1d2: {  	v0 =	vadd.f32 v0, v34;
	v62 =	vadd.f32 v58, v57  }
0x1d3: {  	v63 =	vadd.f32 v60, v59;
	v1 =	vadd.f32 v1, v61;
	_ =	sdelay $0x1  }
0x1d4: {  	v0 =	vadd.f32 v62, v0;
	v1 =	vadd.f32 v1, v63  }
0x1d5: {  	p0 =	sne.s32 s23, $0x13  }
.Ltmp0:
0x1d6: {  	v0 =	vadd.f32 v1, v0;
	(pc) =	sbr.rel @p0 .LBB2_4-.Ltmp0, $3  }
0x1d7: {  	_ = 	snop  }
0x1d8: {  	v0 =	vsub.f32 $0.0e+00, v0;
	_ =	sdelay $0x1  }
0x1d9: {  	s23 =	sadd.s32 $0x4, s23;
	[tilespmem:s22+$0x100] =	vst v0;
	s22 =	sadd.s32 $0x200, s22  }
0x1da: {  	s21 =	sadd.s32 $0x1, s21  }
0x1db: {  	p0 =	sne.s32 s21, $0x8  }
.Ltmp1:
0x1dc: {  	_ = 	snop;
	(pc) =	sbr.rel @p0 .LBB2_3-.Ltmp1, $2  }
0x1dd: {  	_ =	sdelay $0x2  }
0x1de: {  	s24 =	sadd.s32 $0x10, s24  }
0x1df: {  	s21 =	sadd.s32 s10, s20  }
0x1e0: {  	s20 =	sadd.s32 $0x1, s20;
	s21 =	smul.u32 $0x150, s21  }
0x1e1: {  	p0 =	sne.s32 s20, $0x4  }
.Ltmp2:
0x1e2: {  	s22 =	simm.s32 $0x0;
	s21 =	sadd.s32 s8, s21;
	(pc) =	sbr.rel @p0 .LBB2_2-.Ltmp2, $4  }
0x1e3: {  	[hbm4b:s21+s22] =	stream.linear.scatter [tilespmem:s19], [sflag:$0x2], $0xA80, $0x38;
	[tilespmem:$0x17580] =	vst v63  }
0x1e4: {  	_ =	swait.ge [sflag:s12], $0xA80  }
0x1e5: {  	[sflag:s12] =	ssyncset.done $0x0  }
0x1e6: {  	[sflag:s12] =	ssyncadd.s32 $0xFFFFF580  }
0x1e7: {  	s21 =	rddreg [dreg:$0x5]  }
0x1e8: {  	s20 =	rddreg [dreg:$0x4];
	s21 =	sadd.s32 $0x1, s21  }
0x1e9: {  	p0 =	sne.s32 s21, s20  }
.Ltmp3:
0x1ea: {  	_ = 	snop;
	(pc) =	sbr.rel @p0 .LBB2_1-.Ltmp3, $1  }
0x1eb: {  	_ =	sdelay $0x3  }
0x1ec: {  	_ =	sfence.sel $0x180000  }
0x1ed: {  	[bflag:$0x0] =	sbarrier.arrive $0xFFFF  }
0x1ee: {  	_ =	strace $0x90000047  }
0x1ef: {  	s0 =	stileid.u32;
	[bflag:$0x2] =	sbarrier.arrive $0xFFFF  }
0x1f0: {  	p0 =	sne.s32 s0, $0x0;
	s0 =	rddreg [dreg:$0x3]  }
0x1f1: {  	s0 =	sadd.s32 @!p0 $0x100000, s0  }
0x1f2: {  	[sflag:s0] =	ssyncadd.tile.s32 @!p0 $0x1;
	_ =	shalt  }
.Lfunc_end2:
_tile_overlayer_lowered:
.L_overlay_start_2:
0x1f3: {  	(tag) =	ssettag $0x2  }
0x1f4: {  	s0 =	rddreg [dreg:$0x0];
	s2 =	stileid.u32  }
0x1f5: {  	s1 =	rddreg [dreg:$0x1];
	p0 =	sne.s32 s2, $0x0  }
0x1f6: {  	s3 =	rddreg [dreg:$0x2];
	[bflag:$0x3] =	sbarrier.arrive $0xFFFF;
	s2 =	simm.s32 @!p0 $0x1C02  }
0x1f7: {  	[timem:s3], [sflag:s2] =	dma.local @!p0 [hbm:s0], s1  }
0x1f8: {  	s0 =	simm.s32 @!p0 $0x2  }
0x1f9: {  	_ =	swait.ge @!p0 [sflag:s0], s1  }
0x1fa: {  	s1 =	ssub.s32 @!p0 $0x0, s1;
	[sflag:s0] =	ssyncset.done @!p0 $0x0  }
0x1fb: {  	[sflag:s0] =	ssyncadd.s32 @!p0 s1  }
0x1fc: {  	[bflag:$0x3] =	sbarrier.arrive $0xFFFF  }
0x1fd: {  	_ =	shalt  }

</sc_bundles>
